<compile_context>
chip_gen: v7x
topology: tpu7x:2x2x1
jax: 0.10.2.dev20260603
libtpu: 0.0.44.dev20260713+nightly
codegen_flags: <defaults>
</compile_context>

<pallas_src>
import functools

import jax
import jax.numpy as jnp
from jax import lax
from jax.experimental import pallas as pl
from jax.experimental.pallas import tpu as pltpu
from jax.experimental.pallas import tpu_sc as plsc

NUM_EMBEDDINGS = 1000000
EMBEDDING_DIM = 64
PAD_DIM = 128
BATCH = 16384
HIST = 20

_info = plsc.get_sparse_core_info()
_NC, _NS = _info.num_cores, _info.num_subcores
_NW = _NC * _NS
_BBLKS = BATCH // 128
_BBLK_PER_W = _BBLKS // _NW
_UNITS = _BBLK_PER_W * HIST
_DBLK = EMBEDDING_DIM // 8


def _make_kernel():
    mesh = plsc.VectorSubcoreMesh(core_axis_name="c", subcore_axis_name="s")

    @functools.partial(
        pl.kernel,
        mesh=mesh,
        out_type=jax.ShapeDtypeStruct((HIST, _DBLK, _BBLKS, 8, 128),
                                      jnp.float32),
        compiler_params=pltpu.CompilerParams(use_tc_tiling_on_sc=False,
                                             needs_layout_passes=False),
        scratch_types=[
            pltpu.VMEM((HIST, 128 * _BBLK_PER_W), jnp.int32),
            pltpu.VMEM((128, PAD_DIM), jnp.float32),
            pltpu.VMEM((128, PAD_DIM), jnp.float32),
            pltpu.VMEM((_DBLK, 8, 128), jnp.float32),
            pltpu.VMEM((_DBLK, 8, 128), jnp.float32),
            pltpu.SemaphoreType.DMA,
            pltpu.SemaphoreType.DMA,
            pltpu.SemaphoreType.DMA,
            pltpu.SemaphoreType.DMA,
        ],
    )
    def gather_kernel(table_hbm, idxt_hbm, out_hbm, idx_v, rb0, rb1,
                      st0, st1, gs0, gs1, ws0, ws1):
        wid = lax.axis_index("s") * _NC + lax.axis_index("c")
        bblk0 = wid * _BBLK_PER_W

        pltpu.sync_copy(
            idxt_hbm.at[:, pl.ds(bblk0 * 128, 128 * _BBLK_PER_W)], idx_v)

        rbufs = (rb0, rb1)
        stages = (st0, st1)
        gsems = (gs0, gs1)
        wsems = (ws0, ws1)
        iota16 = lax.broadcasted_iota(jnp.int32, (16,), 0)

        def unit(g):
            return g % HIST, g // HIST

        def gather_src(g):
            h, bl = unit(g)
            return table_hbm.at[idx_v.at[h, pl.ds(bl * 128, 128)]]

        def out_dst(g):
            h, bl = unit(g)
            return out_hbm.at[h, :, bblk0 + bl, :, :]

        pltpu.async_copy(gather_src(0), rbufs[0], gsems[0])

        def body(i, carry):
            for j in range(2):
                g = 2 * i + j
                nxt = (j + 1) % 2

                @pl.when(g + 1 < _UNITS)
                def _():
                    pltpu.async_copy(gather_src(g + 1), rbufs[nxt],
                                     gsems[nxt])

                pltpu.make_async_copy(gather_src(g), rbufs[j],
                                      gsems[j]).wait()

                @pl.when(i > 0)
                def _():
                    pltpu.make_async_copy(stages[j], out_dst(g - 2),
                                          wsems[j]).wait()

                def assemble(k, c):
                    dv = (k + iota16) & (EMBEDDING_DIM - 1)
                    dblkv = dv >> 3
                    dsubv = dv & 7
                    for grp in range(8):
                        bv = grp * 16 + iota16
                        vals = plsc.load_gather(rbufs[j], [bv, dv])
                        plsc.store_scatter(stages[j], [dblkv, dsubv, bv],
                                           vals)
                    return c

                lax.fori_loop(0, EMBEDDING_DIM, assemble, 0)

                pltpu.async_copy(stages[j], out_dst(g), wsems[j])
            return carry

        lax.fori_loop(0, _UNITS // 2, body, 0)
        for j in range(2):
            pltpu.make_async_copy(stages[j], out_dst(_UNITS - 2 + j),
                                  wsems[j]).wait()

    return gather_kernel


_gather = _make_kernel()


def kernel(token_ids, embedding):
    emb_pad = jnp.pad(embedding, ((0, 0), (0, PAD_DIM - EMBEDDING_DIM)))
    tok_t = token_ids.T
    out5 = _gather(emb_pad, tok_t)
    return out5.transpose(2, 4, 0, 1, 3).reshape(BATCH, HIST, EMBEDDING_DIM)

# --- scband reference (transcript-rebuilt; emitter-appended) ---
"""Pipeline reference for scband-embedding-6244882448488 (READ-ONLY COPY).

The authoritative reference and input builder live on the scoring server;
editing this copy changes nothing except your own understanding.
"""

import jax, jax.numpy as jnp
import numpy as np

NUM_EMBEDDINGS = 1000000
EMBEDDING_DIM = 64
BATCH = 16384
HIST = 20

def setup_inputs(seed: int = 0) -> dict:
    key = jax.random.key(seed)
    k_idx, k_emb = jax.random.split(key)
    token_ids = jax.random.randint(k_idx, (BATCH, HIST), 0, NUM_EMBEDDINGS, dtype=jnp.int64 if jax.config.jax_enable_x64 else jnp.int32)
    # trunc_normal_ init approximated by normal clipped to [-2, 2], matching torch trunc_normal_ defaults
    emb = jax.random.truncated_normal(k_emb, -2.0, 2.0, (NUM_EMBEDDINGS, EMBEDDING_DIM), dtype=jnp.float32)
    return {"token_ids": token_ids, "embedding": emb}

def reference(token_ids, embedding):
    # Faithful to: self.embedding[token_ids]
    return jnp.take(embedding, token_ids, axis=0)

if __name__ == "__main__":
    import jax
    _d = setup_inputs()
    print(jax.jit(kernel)(*tuple(_d.values())))

</pallas_src>

<mosaic_0001>
#map = affine_map<(d0, d1) -> (0, 0)>
#map1 = affine_map<(d0, d1) -> (0, 0, 0, 0, 0)>
module attributes {stable_mosaic.version = 14 : i64} {
  func.func @gather_kernel(%arg0: i32, %arg1: i32, %arg2: memref<1000000x128xf32, #tpu.memory_space<hbm>>, %arg3: memref<20x16384xi32, #tpu.memory_space<hbm>>, %arg4: memref<20x8x128x8x128xf32, #tpu.memory_space<hbm>>, %arg5: memref<20x512xi32, #tpu.memory_space<vmem>>, %arg6: memref<128x128xf32, #tpu.memory_space<vmem>>, %arg7: memref<128x128xf32, #tpu.memory_space<vmem>>, %arg8: memref<8x8x128xf32, #tpu.memory_space<vmem>>, %arg9: memref<8x8x128xf32, #tpu.memory_space<vmem>>, %arg10: memref<!tpu.dma_semaphore, #tpu.memory_space<semaphore_mem>>, %arg11: memref<!tpu.dma_semaphore, #tpu.memory_space<semaphore_mem>>, %arg12: memref<!tpu.dma_semaphore, #tpu.memory_space<semaphore_mem>>, %arg13: memref<!tpu.dma_semaphore, #tpu.memory_space<semaphore_mem>>) attributes {dimension_semantics = [#tpu.dimension_semantics<core_parallel>, #tpu.dimension_semantics<subcore_parallel>], iteration_bounds = array<i64: 2, 16>, scalar_prefetch = 0 : i64, scratch_operands = 9 : i64, tpu.core_type = #tpu.core_type<sc_vector_subcore>, window_params = [{transform_indices = #map}, {transform_indices = #map}, {transform_indices = #map1}]} {
    %mul3A = arith.constant 2 : i32
    %mul3A_0 = arith.muli %arg1, %mul3A : i32
    %add3A = arith.addi %mul3A_0, %arg0 : i32
    %mul3A_1 = arith.constant 4 : i32
    %mul3A_2 = arith.muli %add3A, %mul3A_1 : i32
    %mul3A_3 = arith.constant 128 : i32
    %mul3A_4 = arith.muli %mul3A_2, %mul3A_3 : i32
    "tpu.region"() ({
      %run_scoped3A = tpu.sem_alloc : memref<!tpu.dma_semaphore, #tpu.memory_space<semaphore_mem>>
      %dma_start3A_41 = arith.constant 0 : i32
      %dma_start3A_42 = tpu.memref_slice %arg3[%dma_start3A_41, %mul3A_4] : memref<20x16384xi32, #tpu.memory_space<hbm>> -> memref<20x512xi32, #tpu.memory_space<hbm>>
      %dma_start3A_43 = arith.constant 0 : i32
      %dma_start3A_44 = tpu.memref_slice %arg3[%dma_start3A_43, %mul3A_4] : memref<20x16384xi32, #tpu.memory_space<hbm>> -> memref<20x512xi32, #tpu.memory_space<hbm>>
      tpu.enqueue_dma source(%dma_start3A_44 : memref<20x512xi32, #tpu.memory_space<hbm>>) target(%arg5 : memref<20x512xi32, #tpu.memory_space<vmem>>) target_semaphore(%run_scoped3A : memref<!tpu.dma_semaphore, #tpu.memory_space<semaphore_mem>>)
      %dma_wait3A_45 = arith.constant 0 : i32
      %dma_wait3A_46 = tpu.memref_slice %arg3[%dma_wait3A_45, %mul3A_4] : memref<20x16384xi32, #tpu.memory_space<hbm>> -> memref<20x512xi32, #tpu.memory_space<hbm>>
      %dma_wait3A_47 = arith.constant 0 : i32
      %dma_wait3A_48 = tpu.memref_slice %arg3[%dma_wait3A_47, %mul3A_4] : memref<20x16384xi32, #tpu.memory_space<hbm>> -> memref<20x512xi32, #tpu.memory_space<hbm>>
      tpu.wait_dma2 semaphore(%run_scoped3A : memref<!tpu.dma_semaphore, #tpu.memory_space<semaphore_mem>>) src(%dma_wait3A_48 : memref<20x512xi32, #tpu.memory_space<hbm>>) dst(%arg5 : memref<20x512xi32, #tpu.memory_space<vmem>>)
      tpu.yield
    }) : () -> ()
    %iota3A = tpu.iota {dimensions = array<i32: 0>} : vector<16xi32>
    %dma_start3A = arith.constant 0 : i32
    %dma_start3A_5 = arith.constant 0 : i32
    %dma_start3A_6 = tpu.memref_slice %arg5[%dma_start3A, %dma_start3A_5] : memref<20x512xi32, #tpu.memory_space<vmem>> -> memref<1x128xi32, #tpu.memory_space<vmem>>
    %dma_start3A_7 = tpu.memref_squeeze %dma_start3A_6 : memref<1x128xi32, #tpu.memory_space<vmem>> -> memref<128xi32, #tpu.memory_space<vmem>>
    %dma_start3A_8 = arith.constant 0 : i32
    %dma_start3A_9 = arith.constant 0 : i32
    %dma_start3A_10 = tpu.memref_slice %arg2[%dma_start3A_8, %dma_start3A_9] : memref<1000000x128xf32, #tpu.memory_space<hbm>> -> memref<1000000x128xf32, #tpu.memory_space<hbm>>
    tpu.enqueue_indirect_dma source(%dma_start3A_10 : memref<1000000x128xf32, #tpu.memory_space<hbm>>) target(%arg6 : memref<128x128xf32, #tpu.memory_space<vmem>>) offsets(%dma_start3A_7 : memref<128xi32, #tpu.memory_space<vmem>>) semaphore(%arg10 : memref<!tpu.dma_semaphore, #tpu.memory_space<semaphore_mem>>)
    %scan3A = arith.constant 0 : i32
    %scan3A_11 = arith.constant 0 : i32
    %scan3A_12 = arith.constant 40 : i32
    %scan3A_13 = arith.addi %scan3A_11, %scan3A_12 : i32
    %scan3A_14 = arith.constant 1 : i32
    scf.for %scan3A_41 = %scan3A_11 to %scan3A_13 step %scan3A_14  : i32 {
      %mul3A_42 = arith.constant 2 : i32
      %mul3A_43 = arith.muli %mul3A_42, %scan3A_41 : i32
      %add3A_44 = arith.constant 0 : i32
      %add3A_45 = arith.addi %mul3A_43, %add3A_44 : i32
      %add3A_46 = arith.constant 1 : i32
      %add3A_47 = arith.addi %add3A_45, %add3A_46 : i32
      %lt3A = arith.constant 80 : i32
      %lt3A_48 = arith.cmpi slt, %add3A_47, %lt3A : i32
      %convert_element_type3A = arith.extui %lt3A_48 : i1 to i32
      %cond3A = arith.constant 0 : i32
      %cond3A_49 = arith.cmpi ne, %convert_element_type3A, %cond3A : i32
      scf.if %cond3A_49 {
        %add3A_269 = arith.constant 1 : i32
        %add3A_270 = arith.addi %add3A_45, %add3A_269 : i32
        %jit3A_271 = arith.constant 20 : i32
        %eq3A_272 = arith.constant 0 : i32
        %eq3A_273 = arith.cmpi eq, %jit3A_271, %eq3A_272 : i32
        %jit3A_274 = arith.constant 1 : i32
        %select_n3A_275 = arith.select %eq3A_273, %jit3A_274, %jit3A_271 : i32
        %rem3A_276 = arith.remsi %add3A_270, %select_n3A_275 : i32
        %ne3A_277 = arith.constant 0 : i32
        %ne3A_278 = arith.cmpi ne, %rem3A_276, %ne3A_277 : i32
        %lt3A_279 = arith.constant 0 : i32
        %lt3A_280 = arith.cmpi slt, %rem3A_276, %lt3A_279 : i32
        %lt3A_281 = arith.constant 0 : i32
        %lt3A_282 = arith.cmpi slt, %select_n3A_275, %lt3A_281 : i32
        %ne3A_283 = arith.xori %lt3A_280, %lt3A_282 : i1
        %and3A_284 = arith.andi %ne3A_283, %ne3A_278 : i1
        %add3A_285 = arith.addi %rem3A_276, %select_n3A_275 : i32
        %select_n3A_286 = arith.select %and3A_284, %add3A_285, %rem3A_276 : i32
        %jit3A_287 = arith.constant 20 : i32
        %div3A_288 = arith.divsi %add3A_270, %jit3A_287 : i32
        %sign3A_289 = arith.constant 0 : i32
        %sign3A_290 = arith.cmpi sgt, %add3A_270, %sign3A_289 : i32
        %sign3A_291 = arith.extui %sign3A_290 : i1 to i32
        %sign3A_292 = arith.constant 0 : i32
        %sign3A_293 = arith.cmpi slt, %add3A_270, %sign3A_292 : i32
        %sign3A_294 = arith.extui %sign3A_293 : i1 to i32
        %sign3A_295 = arith.subi %sign3A_291, %sign3A_294 : i32
        %sign3A_296 = arith.constant 0 : i32
        %sign3A_297 = arith.cmpi sgt, %jit3A_287, %sign3A_296 : i32
        %sign3A_298 = arith.extui %sign3A_297 : i1 to i32
        %sign3A_299 = arith.constant 0 : i32
        %sign3A_300 = arith.cmpi slt, %jit3A_287, %sign3A_299 : i32
        %sign3A_301 = arith.extui %sign3A_300 : i1 to i32
        %sign3A_302 = arith.subi %sign3A_298, %sign3A_301 : i32
        %ne3A_303 = arith.cmpi ne, %sign3A_295, %sign3A_302 : i32
        %rem3A_304 = arith.remsi %add3A_270, %jit3A_287 : i32
        %ne3A_305 = arith.constant 0 : i32
        %ne3A_306 = arith.cmpi ne, %rem3A_304, %ne3A_305 : i32
        %and3A_307 = arith.andi %ne3A_303, %ne3A_306 : i1
        %sub3A_308 = arith.constant 1 : i32
        %sub3A_309 = arith.subi %div3A_288, %sub3A_308 : i32
        %select_n3A_310 = arith.select %and3A_307, %sub3A_309, %div3A_288 : i32
        %mul3A_311 = arith.constant 128 : i32
        %mul3A_312 = arith.muli %select_n3A_310, %mul3A_311 : i32
        %dma_start3A_313 = tpu.memref_slice %arg5[%select_n3A_286, %mul3A_312] : memref<20x512xi32, #tpu.memory_space<vmem>> -> memref<1x128xi32, #tpu.memory_space<vmem>>
        %dma_start3A_314 = tpu.memref_squeeze %dma_start3A_313 : memref<1x128xi32, #tpu.memory_space<vmem>> -> memref<128xi32, #tpu.memory_space<vmem>>
        %dma_start3A_315 = arith.constant 0 : i32
        %dma_start3A_316 = arith.constant 0 : i32
        %dma_start3A_317 = tpu.memref_slice %arg2[%dma_start3A_315, %dma_start3A_316] : memref<1000000x128xf32, #tpu.memory_space<hbm>> -> memref<1000000x128xf32, #tpu.memory_space<hbm>>
        tpu.enqueue_indirect_dma source(%dma_start3A_317 : memref<1000000x128xf32, #tpu.memory_space<hbm>>) target(%arg7 : memref<128x128xf32, #tpu.memory_space<vmem>>) offsets(%dma_start3A_314 : memref<128xi32, #tpu.memory_space<vmem>>) semaphore(%arg11 : memref<!tpu.dma_semaphore, #tpu.memory_space<semaphore_mem>>)
      } else {
      }
      %jit3A = arith.constant 20 : i32
      %eq3A = arith.constant 0 : i32
      %eq3A_50 = arith.cmpi eq, %jit3A, %eq3A : i32
      %jit3A_51 = arith.constant 1 : i32
      %select_n3A = arith.select %eq3A_50, %jit3A_51, %jit3A : i32
      %rem3A = arith.remsi %add3A_45, %select_n3A : i32
      %ne3A = arith.constant 0 : i32
      %ne3A_52 = arith.cmpi ne, %rem3A, %ne3A : i32
      %lt3A_53 = arith.constant 0 : i32
      %lt3A_54 = arith.cmpi slt, %rem3A, %lt3A_53 : i32
      %lt3A_55 = arith.constant 0 : i32
      %lt3A_56 = arith.cmpi slt, %select_n3A, %lt3A_55 : i32
      %ne3A_57 = arith.xori %lt3A_54, %lt3A_56 : i1
      %and3A = arith.andi %ne3A_57, %ne3A_52 : i1
      %add3A_58 = arith.addi %rem3A, %select_n3A : i32
      %select_n3A_59 = arith.select %and3A, %add3A_58, %rem3A : i32
      %jit3A_60 = arith.constant 20 : i32
      %div3A = arith.divsi %add3A_45, %jit3A_60 : i32
      %sign3A = arith.constant 0 : i32
      %sign3A_61 = arith.cmpi sgt, %add3A_45, %sign3A : i32
      %sign3A_62 = arith.extui %sign3A_61 : i1 to i32
      %sign3A_63 = arith.constant 0 : i32
      %sign3A_64 = arith.cmpi slt, %add3A_45, %sign3A_63 : i32
      %sign3A_65 = arith.extui %sign3A_64 : i1 to i32
      %sign3A_66 = arith.subi %sign3A_62, %sign3A_65 : i32
      %sign3A_67 = arith.constant 0 : i32
      %sign3A_68 = arith.cmpi sgt, %jit3A_60, %sign3A_67 : i32
      %sign3A_69 = arith.extui %sign3A_68 : i1 to i32
      %sign3A_70 = arith.constant 0 : i32
      %sign3A_71 = arith.cmpi slt, %jit3A_60, %sign3A_70 : i32
      %sign3A_72 = arith.extui %sign3A_71 : i1 to i32
      %sign3A_73 = arith.subi %sign3A_69, %sign3A_72 : i32
      %ne3A_74 = arith.cmpi ne, %sign3A_66, %sign3A_73 : i32
      %rem3A_75 = arith.remsi %add3A_45, %jit3A_60 : i32
      %ne3A_76 = arith.constant 0 : i32
      %ne3A_77 = arith.cmpi ne, %rem3A_75, %ne3A_76 : i32
      %and3A_78 = arith.andi %ne3A_74, %ne3A_77 : i1
      %sub3A = arith.constant 1 : i32
      %sub3A_79 = arith.subi %div3A, %sub3A : i32
      %select_n3A_80 = arith.select %and3A_78, %sub3A_79, %div3A : i32
      %mul3A_81 = arith.constant 128 : i32
      %mul3A_82 = arith.muli %select_n3A_80, %mul3A_81 : i32
      %dma_wait3A_83 = tpu.memref_slice %arg5[%select_n3A_59, %mul3A_82] : memref<20x512xi32, #tpu.memory_space<vmem>> -> memref<1x128xi32, #tpu.memory_space<vmem>>
      %dma_wait3A_84 = tpu.memref_squeeze %dma_wait3A_83 : memref<1x128xi32, #tpu.memory_space<vmem>> -> memref<128xi32, #tpu.memory_space<vmem>>
      %dma_wait3A_85 = arith.constant 0 : i32
      %dma_wait3A_86 = arith.constant 0 : i32
      %dma_wait3A_87 = tpu.memref_slice %arg2[%dma_wait3A_85, %dma_wait3A_86] : memref<1000000x128xf32, #tpu.memory_space<hbm>> -> memref<1000000x128xf32, #tpu.memory_space<hbm>>
      tpu.wait_indirect_dma semaphore(%arg10 : memref<!tpu.dma_semaphore, #tpu.memory_space<semaphore_mem>>) src(%dma_wait3A_87 : memref<1000000x128xf32, #tpu.memory_space<hbm>>) dst(%arg6 : memref<128x128xf32, #tpu.memory_space<vmem>>)
      %gt3A = arith.constant 0 : i32
      %gt3A_88 = arith.cmpi sgt, %scan3A_41, %gt3A : i32
      %convert_element_type3A_89 = arith.extui %gt3A_88 : i1 to i32
      %cond3A_90 = arith.constant 0 : i32
      %cond3A_91 = arith.cmpi ne, %convert_element_type3A_89, %cond3A_90 : i32
      scf.if %cond3A_91 {
        %sub3A_269 = arith.constant 2 : i32
        %sub3A_270 = arith.subi %add3A_45, %sub3A_269 : i32
        %jit3A_271 = arith.constant 20 : i32
        %eq3A_272 = arith.constant 0 : i32
        %eq3A_273 = arith.cmpi eq, %jit3A_271, %eq3A_272 : i32
        %jit3A_274 = arith.constant 1 : i32
        %select_n3A_275 = arith.select %eq3A_273, %jit3A_274, %jit3A_271 : i32
        %rem3A_276 = arith.remsi %sub3A_270, %select_n3A_275 : i32
        %ne3A_277 = arith.constant 0 : i32
        %ne3A_278 = arith.cmpi ne, %rem3A_276, %ne3A_277 : i32
        %lt3A_279 = arith.constant 0 : i32
        %lt3A_280 = arith.cmpi slt, %rem3A_276, %lt3A_279 : i32
        %lt3A_281 = arith.constant 0 : i32
        %lt3A_282 = arith.cmpi slt, %select_n3A_275, %lt3A_281 : i32
        %ne3A_283 = arith.xori %lt3A_280, %lt3A_282 : i1
        %and3A_284 = arith.andi %ne3A_283, %ne3A_278 : i1
        %add3A_285 = arith.addi %rem3A_276, %select_n3A_275 : i32
        %select_n3A_286 = arith.select %and3A_284, %add3A_285, %rem3A_276 : i32
        %jit3A_287 = arith.constant 20 : i32
        %div3A_288 = arith.divsi %sub3A_270, %jit3A_287 : i32
        %sign3A_289 = arith.constant 0 : i32
        %sign3A_290 = arith.cmpi sgt, %sub3A_270, %sign3A_289 : i32
        %sign3A_291 = arith.extui %sign3A_290 : i1 to i32
        %sign3A_292 = arith.constant 0 : i32
        %sign3A_293 = arith.cmpi slt, %sub3A_270, %sign3A_292 : i32
        %sign3A_294 = arith.extui %sign3A_293 : i1 to i32
        %sign3A_295 = arith.subi %sign3A_291, %sign3A_294 : i32
        %sign3A_296 = arith.constant 0 : i32
        %sign3A_297 = arith.cmpi sgt, %jit3A_287, %sign3A_296 : i32
        %sign3A_298 = arith.extui %sign3A_297 : i1 to i32
        %sign3A_299 = arith.constant 0 : i32
        %sign3A_300 = arith.cmpi slt, %jit3A_287, %sign3A_299 : i32
        %sign3A_301 = arith.extui %sign3A_300 : i1 to i32
        %sign3A_302 = arith.subi %sign3A_298, %sign3A_301 : i32
        %ne3A_303 = arith.cmpi ne, %sign3A_295, %sign3A_302 : i32
        %rem3A_304 = arith.remsi %sub3A_270, %jit3A_287 : i32
        %ne3A_305 = arith.constant 0 : i32
        %ne3A_306 = arith.cmpi ne, %rem3A_304, %ne3A_305 : i32
        %and3A_307 = arith.andi %ne3A_303, %ne3A_306 : i1
        %sub3A_308 = arith.constant 1 : i32
        %sub3A_309 = arith.subi %div3A_288, %sub3A_308 : i32
        %select_n3A_310 = arith.select %and3A_307, %sub3A_309, %div3A_288 : i32
        %add3A_311 = arith.addi %mul3A_2, %select_n3A_310 : i32
        %dma_wait3A_312 = arith.constant 0 : i32
        %dma_wait3A_313 = arith.constant 0 : i32
        %dma_wait3A_314 = arith.constant 0 : i32
        %dma_wait3A_315 = tpu.memref_slice %arg4[%select_n3A_286, %dma_wait3A_312, %add3A_311, %dma_wait3A_313, %dma_wait3A_314] : memref<20x8x128x8x128xf32, #tpu.memory_space<hbm>> -> memref<1x8x1x8x128xf32, #tpu.memory_space<hbm>>
        %dma_wait3A_316 = tpu.memref_squeeze %dma_wait3A_315 : memref<1x8x1x8x128xf32, #tpu.memory_space<hbm>> -> memref<8x8x128xf32, #tpu.memory_space<hbm>>
        %dma_wait3A_317 = arith.constant 0 : i32
        %dma_wait3A_318 = arith.constant 0 : i32
        %dma_wait3A_319 = arith.constant 0 : i32
        %dma_wait3A_320 = tpu.memref_slice %arg4[%select_n3A_286, %dma_wait3A_317, %add3A_311, %dma_wait3A_318, %dma_wait3A_319] : memref<20x8x128x8x128xf32, #tpu.memory_space<hbm>> -> memref<1x8x1x8x128xf32, #tpu.memory_space<hbm>>
        %dma_wait3A_321 = tpu.memref_squeeze %dma_wait3A_320 : memref<1x8x1x8x128xf32, #tpu.memory_space<hbm>> -> memref<8x8x128xf32, #tpu.memory_space<hbm>>
        tpu.wait_dma2 semaphore(%arg12 : memref<!tpu.dma_semaphore, #tpu.memory_space<semaphore_mem>>) src(%arg8 : memref<8x8x128xf32, #tpu.memory_space<vmem>>) dst(%dma_wait3A_321 : memref<8x8x128xf32, #tpu.memory_space<hbm>>)
      } else {
      }
      %scan3A_92 = arith.constant 0 : i32
      %scan3A_93 = arith.constant 0 : i32
      %scan3A_94 = arith.constant 64 : i32
      %scan3A_95 = arith.addi %scan3A_93, %scan3A_94 : i32
      %scan3A_96 = arith.constant 1 : i32
      scf.for %scan3A_269 = %scan3A_93 to %scan3A_95 step %scan3A_96  : i32 {
        %add3A_270 = vector.broadcast %scan3A_269 : i32 to vector<16xi32>
        %add3A_271 = arith.addi %add3A_270, %iota3A : vector<16xi32>
        %and3A_272 = arith.constant 63 : i32
        %and3A_273 = vector.broadcast %and3A_272 : i32 to vector<16xi32>
        %and3A_274 = arith.andi %add3A_271, %and3A_273 : vector<16xi32>
        %shift_right_arithmetic3A = arith.constant 3 : i32
        %shift_right_arithmetic3A_275 = vector.broadcast %shift_right_arithmetic3A : i32 to vector<16xi32>
        %shift_right_arithmetic3A_276 = arith.shrsi %and3A_274, %shift_right_arithmetic3A_275 : vector<16xi32>
        %and3A_277 = arith.constant 7 : i32
        %and3A_278 = vector.broadcast %and3A_277 : i32 to vector<16xi32>
        %and3A_279 = arith.andi %and3A_274, %and3A_278 : vector<16xi32>
        %add3A_280 = arith.constant 0 : i32
        %add3A_281 = vector.broadcast %add3A_280 : i32 to vector<16xi32>
        %add3A_282 = arith.addi %add3A_281, %iota3A : vector<16xi32>
        %gather3A = tpu.vector_load_idx %arg6[%add3A_282, %and3A_274] : memref<128x128xf32, #tpu.memory_space<vmem>>[vector<16xi32>, vector<16xi32>], vector<16xf32>,
        tpu.vector_store_idx %arg8[%shift_right_arithmetic3A_276, %and3A_279, %add3A_282], %gather3A : memref<8x8x128xf32, #tpu.memory_space<vmem>>[vector<16xi32>, vector<16xi32>, vector<16xi32>], vector<16xf32>,
        %add3A_283 = arith.constant 16 : i32
        %add3A_284 = vector.broadcast %add3A_283 : i32 to vector<16xi32>
        %add3A_285 = arith.addi %add3A_284, %iota3A : vector<16xi32>
        %gather3A_286 = tpu.vector_load_idx %arg6[%add3A_285, %and3A_274] : memref<128x128xf32, #tpu.memory_space<vmem>>[vector<16xi32>, vector<16xi32>], vector<16xf32>,
        tpu.vector_store_idx %arg8[%shift_right_arithmetic3A_276, %and3A_279, %add3A_285], %gather3A_286 : memref<8x8x128xf32, #tpu.memory_space<vmem>>[vector<16xi32>, vector<16xi32>, vector<16xi32>], vector<16xf32>,
        %add3A_287 = arith.constant 32 : i32
        %add3A_288 = vector.broadcast %add3A_287 : i32 to vector<16xi32>
        %add3A_289 = arith.addi %add3A_288, %iota3A : vector<16xi32>
        %gather3A_290 = tpu.vector_load_idx %arg6[%add3A_289, %and3A_274] : memref<128x128xf32, #tpu.memory_space<vmem>>[vector<16xi32>, vector<16xi32>], vector<16xf32>,
        tpu.vector_store_idx %arg8[%shift_right_arithmetic3A_276, %and3A_279, %add3A_289], %gather3A_290 : memref<8x8x128xf32, #tpu.memory_space<vmem>>[vector<16xi32>, vector<16xi32>, vector<16xi32>], vector<16xf32>,
        %add3A_291 = arith.constant 48 : i32
        %add3A_292 = vector.broadcast %add3A_291 : i32 to vector<16xi32>
        %add3A_293 = arith.addi %add3A_292, %iota3A : vector<16xi32>
        %gather3A_294 = tpu.vector_load_idx %arg6[%add3A_293, %and3A_274] : memref<128x128xf32, #tpu.memory_space<vmem>>[vector<16xi32>, vector<16xi32>], vector<16xf32>,
        tpu.vector_store_idx %arg8[%shift_right_arithmetic3A_276, %and3A_279, %add3A_293], %gather3A_294 : memref<8x8x128xf32, #tpu.memory_space<vmem>>[vector<16xi32>, vector<16xi32>, vector<16xi32>], vector<16xf32>,
        %add3A_295 = arith.constant 64 : i32
        %add3A_296 = vector.broadcast %add3A_295 : i32 to vector<16xi32>
        %add3A_297 = arith.addi %add3A_296, %iota3A : vector<16xi32>
        %gather3A_298 = tpu.vector_load_idx %arg6[%add3A_297, %and3A_274] : memref<128x128xf32, #tpu.memory_space<vmem>>[vector<16xi32>, vector<16xi32>], vector<16xf32>,
        tpu.vector_store_idx %arg8[%shift_right_arithmetic3A_276, %and3A_279, %add3A_297], %gather3A_298 : memref<8x8x128xf32, #tpu.memory_space<vmem>>[vector<16xi32>, vector<16xi32>, vector<16xi32>], vector<16xf32>,
        %add3A_299 = arith.constant 80 : i32
        %add3A_300 = vector.broadcast %add3A_299 : i32 to vector<16xi32>
        %add3A_301 = arith.addi %add3A_300, %iota3A : vector<16xi32>
        %gather3A_302 = tpu.vector_load_idx %arg6[%add3A_301, %and3A_274] : memref<128x128xf32, #tpu.memory_space<vmem>>[vector<16xi32>, vector<16xi32>], vector<16xf32>,
        tpu.vector_store_idx %arg8[%shift_right_arithmetic3A_276, %and3A_279, %add3A_301], %gather3A_302 : memref<8x8x128xf32, #tpu.memory_space<vmem>>[vector<16xi32>, vector<16xi32>, vector<16xi32>], vector<16xf32>,
        %add3A_303 = arith.constant 96 : i32
        %add3A_304 = vector.broadcast %add3A_303 : i32 to vector<16xi32>
        %add3A_305 = arith.addi %add3A_304, %iota3A : vector<16xi32>
        %gather3A_306 = tpu.vector_load_idx %arg6[%add3A_305, %and3A_274] : memref<128x128xf32, #tpu.memory_space<vmem>>[vector<16xi32>, vector<16xi32>], vector<16xf32>,
        tpu.vector_store_idx %arg8[%shift_right_arithmetic3A_276, %and3A_279, %add3A_305], %gather3A_306 : memref<8x8x128xf32, #tpu.memory_space<vmem>>[vector<16xi32>, vector<16xi32>, vector<16xi32>], vector<16xf32>,
        %add3A_307 = arith.constant 112 : i32
        %add3A_308 = vector.broadcast %add3A_307 : i32 to vector<16xi32>
        %add3A_309 = arith.addi %add3A_308, %iota3A : vector<16xi32>
        %gather3A_310 = tpu.vector_load_idx %arg6[%add3A_309, %and3A_274] : memref<128x128xf32, #tpu.memory_space<vmem>>[vector<16xi32>, vector<16xi32>], vector<16xf32>,
        tpu.vector_store_idx %arg8[%shift_right_arithmetic3A_276, %and3A_279, %add3A_309], %gather3A_310 : memref<8x8x128xf32, #tpu.memory_space<vmem>>[vector<16xi32>, vector<16xi32>, vector<16xi32>], vector<16xf32>,
      }
      %scan3A_97 = arith.constant 64 : i32
      %jit3A_98 = arith.constant 20 : i32
      %eq3A_99 = arith.constant 0 : i32
      %eq3A_100 = arith.cmpi eq, %jit3A_98, %eq3A_99 : i32
      %jit3A_101 = arith.constant 1 : i32
      %select_n3A_102 = arith.select %eq3A_100, %jit3A_101, %jit3A_98 : i32
      %rem3A_103 = arith.remsi %add3A_45, %select_n3A_102 : i32
      %ne3A_104 = arith.constant 0 : i32
      %ne3A_105 = arith.cmpi ne, %rem3A_103, %ne3A_104 : i32
      %lt3A_106 = arith.constant 0 : i32
      %lt3A_107 = arith.cmpi slt, %rem3A_103, %lt3A_106 : i32
      %lt3A_108 = arith.constant 0 : i32
      %lt3A_109 = arith.cmpi slt, %select_n3A_102, %lt3A_108 : i32
      %ne3A_110 = arith.xori %lt3A_107, %lt3A_109 : i1
      %and3A_111 = arith.andi %ne3A_110, %ne3A_105 : i1
      %add3A_112 = arith.addi %rem3A_103, %select_n3A_102 : i32
      %select_n3A_113 = arith.select %and3A_111, %add3A_112, %rem3A_103 : i32
      %jit3A_114 = arith.constant 20 : i32
      %div3A_115 = arith.divsi %add3A_45, %jit3A_114 : i32
      %sign3A_116 = arith.constant 0 : i32
      %sign3A_117 = arith.cmpi sgt, %add3A_45, %sign3A_116 : i32
      %sign3A_118 = arith.extui %sign3A_117 : i1 to i32
      %sign3A_119 = arith.constant 0 : i32
      %sign3A_120 = arith.cmpi slt, %add3A_45, %sign3A_119 : i32
      %sign3A_121 = arith.extui %sign3A_120 : i1 to i32
      %sign3A_122 = arith.subi %sign3A_118, %sign3A_121 : i32
      %sign3A_123 = arith.constant 0 : i32
      %sign3A_124 = arith.cmpi sgt, %jit3A_114, %sign3A_123 : i32
      %sign3A_125 = arith.extui %sign3A_124 : i1 to i32
      %sign3A_126 = arith.constant 0 : i32
      %sign3A_127 = arith.cmpi slt, %jit3A_114, %sign3A_126 : i32
      %sign3A_128 = arith.extui %sign3A_127 : i1 to i32
      %sign3A_129 = arith.subi %sign3A_125, %sign3A_128 : i32
      %ne3A_130 = arith.cmpi ne, %sign3A_122, %sign3A_129 : i32
      %rem3A_131 = arith.remsi %add3A_45, %jit3A_114 : i32
      %ne3A_132 = arith.constant 0 : i32
      %ne3A_133 = arith.cmpi ne, %rem3A_131, %ne3A_132 : i32
      %and3A_134 = arith.andi %ne3A_130, %ne3A_133 : i1
      %sub3A_135 = arith.constant 1 : i32
      %sub3A_136 = arith.subi %div3A_115, %sub3A_135 : i32
      %select_n3A_137 = arith.select %and3A_134, %sub3A_136, %div3A_115 : i32
      %add3A_138 = arith.addi %mul3A_2, %select_n3A_137 : i32
      %dma_start3A_139 = arith.constant 0 : i32
      %dma_start3A_140 = arith.constant 0 : i32
      %dma_start3A_141 = arith.constant 0 : i32
      %dma_start3A_142 = tpu.memref_slice %arg4[%select_n3A_113, %dma_start3A_139, %add3A_138, %dma_start3A_140, %dma_start3A_141] : memref<20x8x128x8x128xf32, #tpu.memory_space<hbm>> -> memref<1x8x1x8x128xf32, #tpu.memory_space<hbm>>
      %dma_start3A_143 = tpu.memref_squeeze %dma_start3A_142 : memref<1x8x1x8x128xf32, #tpu.memory_space<hbm>> -> memref<8x8x128xf32, #tpu.memory_space<hbm>>
      %dma_start3A_144 = arith.constant 0 : i32
      %dma_start3A_145 = arith.constant 0 : i32
      %dma_start3A_146 = arith.constant 0 : i32
      %dma_start3A_147 = tpu.memref_slice %arg4[%select_n3A_113, %dma_start3A_144, %add3A_138, %dma_start3A_145, %dma_start3A_146] : memref<20x8x128x8x128xf32, #tpu.memory_space<hbm>> -> memref<1x8x1x8x128xf32, #tpu.memory_space<hbm>>
      %dma_start3A_148 = tpu.memref_squeeze %dma_start3A_147 : memref<1x8x1x8x128xf32, #tpu.memory_space<hbm>> -> memref<8x8x128xf32, #tpu.memory_space<hbm>>
      tpu.enqueue_dma source(%arg8 : memref<8x8x128xf32, #tpu.memory_space<vmem>>) target(%dma_start3A_148 : memref<8x8x128xf32, #tpu.memory_space<hbm>>) target_semaphore(%arg12 : memref<!tpu.dma_semaphore, #tpu.memory_space<semaphore_mem>>)
      %mul3A_149 = arith.constant 2 : i32
      %mul3A_150 = arith.muli %mul3A_149, %scan3A_41 : i32
      %add3A_151 = arith.constant 1 : i32
      %add3A_152 = arith.addi %mul3A_150, %add3A_151 : i32
      %add3A_153 = arith.constant 1 : i32
      %add3A_154 = arith.addi %add3A_152, %add3A_153 : i32
      %lt3A_155 = arith.constant 80 : i32
      %lt3A_156 = arith.cmpi slt, %add3A_154, %lt3A_155 : i32
      %convert_element_type3A_157 = arith.extui %lt3A_156 : i1 to i32
      %cond3A_158 = arith.constant 0 : i32
      %cond3A_159 = arith.cmpi ne, %convert_element_type3A_157, %cond3A_158 : i32
      scf.if %cond3A_159 {
        %add3A_269 = arith.constant 1 : i32
        %add3A_270 = arith.addi %add3A_152, %add3A_269 : i32
        %jit3A_271 = arith.constant 20 : i32
        %eq3A_272 = arith.constant 0 : i32
        %eq3A_273 = arith.cmpi eq, %jit3A_271, %eq3A_272 : i32
        %jit3A_274 = arith.constant 1 : i32
        %select_n3A_275 = arith.select %eq3A_273, %jit3A_274, %jit3A_271 : i32
        %rem3A_276 = arith.remsi %add3A_270, %select_n3A_275 : i32
        %ne3A_277 = arith.constant 0 : i32
        %ne3A_278 = arith.cmpi ne, %rem3A_276, %ne3A_277 : i32
        %lt3A_279 = arith.constant 0 : i32
        %lt3A_280 = arith.cmpi slt, %rem3A_276, %lt3A_279 : i32
        %lt3A_281 = arith.constant 0 : i32
        %lt3A_282 = arith.cmpi slt, %select_n3A_275, %lt3A_281 : i32
        %ne3A_283 = arith.xori %lt3A_280, %lt3A_282 : i1
        %and3A_284 = arith.andi %ne3A_283, %ne3A_278 : i1
        %add3A_285 = arith.addi %rem3A_276, %select_n3A_275 : i32
        %select_n3A_286 = arith.select %and3A_284, %add3A_285, %rem3A_276 : i32
        %jit3A_287 = arith.constant 20 : i32
        %div3A_288 = arith.divsi %add3A_270, %jit3A_287 : i32
        %sign3A_289 = arith.constant 0 : i32
        %sign3A_290 = arith.cmpi sgt, %add3A_270, %sign3A_289 : i32
        %sign3A_291 = arith.extui %sign3A_290 : i1 to i32
        %sign3A_292 = arith.constant 0 : i32
        %sign3A_293 = arith.cmpi slt, %add3A_270, %sign3A_292 : i32
        %sign3A_294 = arith.extui %sign3A_293 : i1 to i32
        %sign3A_295 = arith.subi %sign3A_291, %sign3A_294 : i32
        %sign3A_296 = arith.constant 0 : i32
        %sign3A_297 = arith.cmpi sgt, %jit3A_287, %sign3A_296 : i32
        %sign3A_298 = arith.extui %sign3A_297 : i1 to i32
        %sign3A_299 = arith.constant 0 : i32
        %sign3A_300 = arith.cmpi slt, %jit3A_287, %sign3A_299 : i32
        %sign3A_301 = arith.extui %sign3A_300 : i1 to i32
        %sign3A_302 = arith.subi %sign3A_298, %sign3A_301 : i32
        %ne3A_303 = arith.cmpi ne, %sign3A_295, %sign3A_302 : i32
        %rem3A_304 = arith.remsi %add3A_270, %jit3A_287 : i32
        %ne3A_305 = arith.constant 0 : i32
        %ne3A_306 = arith.cmpi ne, %rem3A_304, %ne3A_305 : i32
        %and3A_307 = arith.andi %ne3A_303, %ne3A_306 : i1
        %sub3A_308 = arith.constant 1 : i32
        %sub3A_309 = arith.subi %div3A_288, %sub3A_308 : i32
        %select_n3A_310 = arith.select %and3A_307, %sub3A_309, %div3A_288 : i32
        %mul3A_311 = arith.constant 128 : i32
        %mul3A_312 = arith.muli %select_n3A_310, %mul3A_311 : i32
        %dma_start3A_313 = tpu.memref_slice %arg5[%select_n3A_286, %mul3A_312] : memref<20x512xi32, #tpu.memory_space<vmem>> -> memref<1x128xi32, #tpu.memory_space<vmem>>
        %dma_start3A_314 = tpu.memref_squeeze %dma_start3A_313 : memref<1x128xi32, #tpu.memory_space<vmem>> -> memref<128xi32, #tpu.memory_space<vmem>>
        %dma_start3A_315 = arith.constant 0 : i32
        %dma_start3A_316 = arith.constant 0 : i32
        %dma_start3A_317 = tpu.memref_slice %arg2[%dma_start3A_315, %dma_start3A_316] : memref<1000000x128xf32, #tpu.memory_space<hbm>> -> memref<1000000x128xf32, #tpu.memory_space<hbm>>
        tpu.enqueue_indirect_dma source(%dma_start3A_317 : memref<1000000x128xf32, #tpu.memory_space<hbm>>) target(%arg6 : memref<128x128xf32, #tpu.memory_space<vmem>>) offsets(%dma_start3A_314 : memref<128xi32, #tpu.memory_space<vmem>>) semaphore(%arg10 : memref<!tpu.dma_semaphore, #tpu.memory_space<semaphore_mem>>)
      } else {
      }
      %jit3A_160 = arith.constant 20 : i32
      %eq3A_161 = arith.constant 0 : i32
      %eq3A_162 = arith.cmpi eq, %jit3A_160, %eq3A_161 : i32
      %jit3A_163 = arith.constant 1 : i32
      %select_n3A_164 = arith.select %eq3A_162, %jit3A_163, %jit3A_160 : i32
      %rem3A_165 = arith.remsi %add3A_152, %select_n3A_164 : i32
      %ne3A_166 = arith.constant 0 : i32
      %ne3A_167 = arith.cmpi ne, %rem3A_165, %ne3A_166 : i32
      %lt3A_168 = arith.constant 0 : i32
      %lt3A_169 = arith.cmpi slt, %rem3A_165, %lt3A_168 : i32
      %lt3A_170 = arith.constant 0 : i32
      %lt3A_171 = arith.cmpi slt, %select_n3A_164, %lt3A_170 : i32
      %ne3A_172 = arith.xori %lt3A_169, %lt3A_171 : i1
      %and3A_173 = arith.andi %ne3A_172, %ne3A_167 : i1
      %add3A_174 = arith.addi %rem3A_165, %select_n3A_164 : i32
      %select_n3A_175 = arith.select %and3A_173, %add3A_174, %rem3A_165 : i32
      %jit3A_176 = arith.constant 20 : i32
      %div3A_177 = arith.divsi %add3A_152, %jit3A_176 : i32
      %sign3A_178 = arith.constant 0 : i32
      %sign3A_179 = arith.cmpi sgt, %add3A_152, %sign3A_178 : i32
      %sign3A_180 = arith.extui %sign3A_179 : i1 to i32
      %sign3A_181 = arith.constant 0 : i32
      %sign3A_182 = arith.cmpi slt, %add3A_152, %sign3A_181 : i32
      %sign3A_183 = arith.extui %sign3A_182 : i1 to i32
      %sign3A_184 = arith.subi %sign3A_180, %sign3A_183 : i32
      %sign3A_185 = arith.constant 0 : i32
      %sign3A_186 = arith.cmpi sgt, %jit3A_176, %sign3A_185 : i32
      %sign3A_187 = arith.extui %sign3A_186 : i1 to i32
      %sign3A_188 = arith.constant 0 : i32
      %sign3A_189 = arith.cmpi slt, %jit3A_176, %sign3A_188 : i32
      %sign3A_190 = arith.extui %sign3A_189 : i1 to i32
      %sign3A_191 = arith.subi %sign3A_187, %sign3A_190 : i32
      %ne3A_192 = arith.cmpi ne, %sign3A_184, %sign3A_191 : i32
      %rem3A_193 = arith.remsi %add3A_152, %jit3A_176 : i32
      %ne3A_194 = arith.constant 0 : i32
      %ne3A_195 = arith.cmpi ne, %rem3A_193, %ne3A_194 : i32
      %and3A_196 = arith.andi %ne3A_192, %ne3A_195 : i1
      %sub3A_197 = arith.constant 1 : i32
      %sub3A_198 = arith.subi %div3A_177, %sub3A_197 : i32
      %select_n3A_199 = arith.select %and3A_196, %sub3A_198, %div3A_177 : i32
      %mul3A_200 = arith.constant 128 : i32
      %mul3A_201 = arith.muli %select_n3A_199, %mul3A_200 : i32
      %dma_wait3A_202 = tpu.memref_slice %arg5[%select_n3A_175, %mul3A_201] : memref<20x512xi32, #tpu.memory_space<vmem>> -> memref<1x128xi32, #tpu.memory_space<vmem>>
      %dma_wait3A_203 = tpu.memref_squeeze %dma_wait3A_202 : memref<1x128xi32, #tpu.memory_space<vmem>> -> memref<128xi32, #tpu.memory_space<vmem>>
      %dma_wait3A_204 = arith.constant 0 : i32
      %dma_wait3A_205 = arith.constant 0 : i32
      %dma_wait3A_206 = tpu.memref_slice %arg2[%dma_wait3A_204, %dma_wait3A_205] : memref<1000000x128xf32, #tpu.memory_space<hbm>> -> memref<1000000x128xf32, #tpu.memory_space<hbm>>
      tpu.wait_indirect_dma semaphore(%arg11 : memref<!tpu.dma_semaphore, #tpu.memory_space<semaphore_mem>>) src(%dma_wait3A_206 : memref<1000000x128xf32, #tpu.memory_space<hbm>>) dst(%arg7 : memref<128x128xf32, #tpu.memory_space<vmem>>)
      %gt3A_207 = arith.constant 0 : i32
      %gt3A_208 = arith.cmpi sgt, %scan3A_41, %gt3A_207 : i32
      %convert_element_type3A_209 = arith.extui %gt3A_208 : i1 to i32
      %cond3A_210 = arith.constant 0 : i32
      %cond3A_211 = arith.cmpi ne, %convert_element_type3A_209, %cond3A_210 : i32
      scf.if %cond3A_211 {
        %sub3A_269 = arith.constant 2 : i32
        %sub3A_270 = arith.subi %add3A_152, %sub3A_269 : i32
        %jit3A_271 = arith.constant 20 : i32
        %eq3A_272 = arith.constant 0 : i32
        %eq3A_273 = arith.cmpi eq, %jit3A_271, %eq3A_272 : i32
        %jit3A_274 = arith.constant 1 : i32
        %select_n3A_275 = arith.select %eq3A_273, %jit3A_274, %jit3A_271 : i32
        %rem3A_276 = arith.remsi %sub3A_270, %select_n3A_275 : i32
        %ne3A_277 = arith.constant 0 : i32
        %ne3A_278 = arith.cmpi ne, %rem3A_276, %ne3A_277 : i32
        %lt3A_279 = arith.constant 0 : i32
        %lt3A_280 = arith.cmpi slt, %rem3A_276, %lt3A_279 : i32
        %lt3A_281 = arith.constant 0 : i32
        %lt3A_282 = arith.cmpi slt, %select_n3A_275, %lt3A_281 : i32
        %ne3A_283 = arith.xori %lt3A_280, %lt3A_282 : i1
        %and3A_284 = arith.andi %ne3A_283, %ne3A_278 : i1
        %add3A_285 = arith.addi %rem3A_276, %select_n3A_275 : i32
        %select_n3A_286 = arith.select %and3A_284, %add3A_285, %rem3A_276 : i32
        %jit3A_287 = arith.constant 20 : i32
        %div3A_288 = arith.divsi %sub3A_270, %jit3A_287 : i32
        %sign3A_289 = arith.constant 0 : i32
        %sign3A_290 = arith.cmpi sgt, %sub3A_270, %sign3A_289 : i32
        %sign3A_291 = arith.extui %sign3A_290 : i1 to i32
        %sign3A_292 = arith.constant 0 : i32
        %sign3A_293 = arith.cmpi slt, %sub3A_270, %sign3A_292 : i32
        %sign3A_294 = arith.extui %sign3A_293 : i1 to i32
        %sign3A_295 = arith.subi %sign3A_291, %sign3A_294 : i32
        %sign3A_296 = arith.constant 0 : i32
        %sign3A_297 = arith.cmpi sgt, %jit3A_287, %sign3A_296 : i32
        %sign3A_298 = arith.extui %sign3A_297 : i1 to i32
        %sign3A_299 = arith.constant 0 : i32
        %sign3A_300 = arith.cmpi slt, %jit3A_287, %sign3A_299 : i32
        %sign3A_301 = arith.extui %sign3A_300 : i1 to i32
        %sign3A_302 = arith.subi %sign3A_298, %sign3A_301 : i32
        %ne3A_303 = arith.cmpi ne, %sign3A_295, %sign3A_302 : i32
        %rem3A_304 = arith.remsi %sub3A_270, %jit3A_287 : i32
        %ne3A_305 = arith.constant 0 : i32
        %ne3A_306 = arith.cmpi ne, %rem3A_304, %ne3A_305 : i32
        %and3A_307 = arith.andi %ne3A_303, %ne3A_306 : i1
        %sub3A_308 = arith.constant 1 : i32
        %sub3A_309 = arith.subi %div3A_288, %sub3A_308 : i32
        %select_n3A_310 = arith.select %and3A_307, %sub3A_309, %div3A_288 : i32
        %add3A_311 = arith.addi %mul3A_2, %select_n3A_310 : i32
        %dma_wait3A_312 = arith.constant 0 : i32
        %dma_wait3A_313 = arith.constant 0 : i32
        %dma_wait3A_314 = arith.constant 0 : i32
        %dma_wait3A_315 = tpu.memref_slice %arg4[%select_n3A_286, %dma_wait3A_312, %add3A_311, %dma_wait3A_313, %dma_wait3A_314] : memref<20x8x128x8x128xf32, #tpu.memory_space<hbm>> -> memref<1x8x1x8x128xf32, #tpu.memory_space<hbm>>
        %dma_wait3A_316 = tpu.memref_squeeze %dma_wait3A_315 : memref<1x8x1x8x128xf32, #tpu.memory_space<hbm>> -> memref<8x8x128xf32, #tpu.memory_space<hbm>>
        %dma_wait3A_317 = arith.constant 0 : i32
        %dma_wait3A_318 = arith.constant 0 : i32
        %dma_wait3A_319 = arith.constant 0 : i32
        %dma_wait3A_320 = tpu.memref_slice %arg4[%select_n3A_286, %dma_wait3A_317, %add3A_311, %dma_wait3A_318, %dma_wait3A_319] : memref<20x8x128x8x128xf32, #tpu.memory_space<hbm>> -> memref<1x8x1x8x128xf32, #tpu.memory_space<hbm>>
        %dma_wait3A_321 = tpu.memref_squeeze %dma_wait3A_320 : memref<1x8x1x8x128xf32, #tpu.memory_space<hbm>> -> memref<8x8x128xf32, #tpu.memory_space<hbm>>
        tpu.wait_dma2 semaphore(%arg13 : memref<!tpu.dma_semaphore, #tpu.memory_space<semaphore_mem>>) src(%arg9 : memref<8x8x128xf32, #tpu.memory_space<vmem>>) dst(%dma_wait3A_321 : memref<8x8x128xf32, #tpu.memory_space<hbm>>)
      } else {
      }
      %scan3A_212 = arith.constant 0 : i32
      %scan3A_213 = arith.constant 0 : i32
      %scan3A_214 = arith.constant 64 : i32
      %scan3A_215 = arith.addi %scan3A_213, %scan3A_214 : i32
      %scan3A_216 = arith.constant 1 : i32
      scf.for %scan3A_269 = %scan3A_213 to %scan3A_215 step %scan3A_216  : i32 {
        %add3A_270 = vector.broadcast %scan3A_269 : i32 to vector<16xi32>
        %add3A_271 = arith.addi %add3A_270, %iota3A : vector<16xi32>
        %and3A_272 = arith.constant 63 : i32
        %and3A_273 = vector.broadcast %and3A_272 : i32 to vector<16xi32>
        %and3A_274 = arith.andi %add3A_271, %and3A_273 : vector<16xi32>
        %shift_right_arithmetic3A = arith.constant 3 : i32
        %shift_right_arithmetic3A_275 = vector.broadcast %shift_right_arithmetic3A : i32 to vector<16xi32>
        %shift_right_arithmetic3A_276 = arith.shrsi %and3A_274, %shift_right_arithmetic3A_275 : vector<16xi32>
        %and3A_277 = arith.constant 7 : i32
        %and3A_278 = vector.broadcast %and3A_277 : i32 to vector<16xi32>
        %and3A_279 = arith.andi %and3A_274, %and3A_278 : vector<16xi32>
        %add3A_280 = arith.constant 0 : i32
        %add3A_281 = vector.broadcast %add3A_280 : i32 to vector<16xi32>
        %add3A_282 = arith.addi %add3A_281, %iota3A : vector<16xi32>
        %gather3A = tpu.vector_load_idx %arg7[%add3A_282, %and3A_274] : memref<128x128xf32, #tpu.memory_space<vmem>>[vector<16xi32>, vector<16xi32>], vector<16xf32>,
        tpu.vector_store_idx %arg9[%shift_right_arithmetic3A_276, %and3A_279, %add3A_282], %gather3A : memref<8x8x128xf32, #tpu.memory_space<vmem>>[vector<16xi32>, vector<16xi32>, vector<16xi32>], vector<16xf32>,
        %add3A_283 = arith.constant 16 : i32
        %add3A_284 = vector.broadcast %add3A_283 : i32 to vector<16xi32>
        %add3A_285 = arith.addi %add3A_284, %iota3A : vector<16xi32>
        %gather3A_286 = tpu.vector_load_idx %arg7[%add3A_285, %and3A_274] : memref<128x128xf32, #tpu.memory_space<vmem>>[vector<16xi32>, vector<16xi32>], vector<16xf32>,
        tpu.vector_store_idx %arg9[%shift_right_arithmetic3A_276, %and3A_279, %add3A_285], %gather3A_286 : memref<8x8x128xf32, #tpu.memory_space<vmem>>[vector<16xi32>, vector<16xi32>, vector<16xi32>], vector<16xf32>,
        %add3A_287 = arith.constant 32 : i32
        %add3A_288 = vector.broadcast %add3A_287 : i32 to vector<16xi32>
        %add3A_289 = arith.addi %add3A_288, %iota3A : vector<16xi32>
        %gather3A_290 = tpu.vector_load_idx %arg7[%add3A_289, %and3A_274] : memref<128x128xf32, #tpu.memory_space<vmem>>[vector<16xi32>, vector<16xi32>], vector<16xf32>,
        tpu.vector_store_idx %arg9[%shift_right_arithmetic3A_276, %and3A_279, %add3A_289], %gather3A_290 : memref<8x8x128xf32, #tpu.memory_space<vmem>>[vector<16xi32>, vector<16xi32>, vector<16xi32>], vector<16xf32>,
        %add3A_291 = arith.constant 48 : i32
        %add3A_292 = vector.broadcast %add3A_291 : i32 to vector<16xi32>
        %add3A_293 = arith.addi %add3A_292, %iota3A : vector<16xi32>
        %gather3A_294 = tpu.vector_load_idx %arg7[%add3A_293, %and3A_274] : memref<128x128xf32, #tpu.memory_space<vmem>>[vector<16xi32>, vector<16xi32>], vector<16xf32>,
        tpu.vector_store_idx %arg9[%shift_right_arithmetic3A_276, %and3A_279, %add3A_293], %gather3A_294 : memref<8x8x128xf32, #tpu.memory_space<vmem>>[vector<16xi32>, vector<16xi32>, vector<16xi32>], vector<16xf32>,
        %add3A_295 = arith.constant 64 : i32
        %add3A_296 = vector.broadcast %add3A_295 : i32 to vector<16xi32>
        %add3A_297 = arith.addi %add3A_296, %iota3A : vector<16xi32>
        %gather3A_298 = tpu.vector_load_idx %arg7[%add3A_297, %and3A_274] : memref<128x128xf32, #tpu.memory_space<vmem>>[vector<16xi32>, vector<16xi32>], vector<16xf32>,
        tpu.vector_store_idx %arg9[%shift_right_arithmetic3A_276, %and3A_279, %add3A_297], %gather3A_298 : memref<8x8x128xf32, #tpu.memory_space<vmem>>[vector<16xi32>, vector<16xi32>, vector<16xi32>], vector<16xf32>,
        %add3A_299 = arith.constant 80 : i32
        %add3A_300 = vector.broadcast %add3A_299 : i32 to vector<16xi32>
        %add3A_301 = arith.addi %add3A_300, %iota3A : vector<16xi32>
        %gather3A_302 = tpu.vector_load_idx %arg7[%add3A_301, %and3A_274] : memref<128x128xf32, #tpu.memory_space<vmem>>[vector<16xi32>, vector<16xi32>], vector<16xf32>,
        tpu.vector_store_idx %arg9[%shift_right_arithmetic3A_276, %and3A_279, %add3A_301], %gather3A_302 : memref<8x8x128xf32, #tpu.memory_space<vmem>>[vector<16xi32>, vector<16xi32>, vector<16xi32>], vector<16xf32>,
        %add3A_303 = arith.constant 96 : i32
        %add3A_304 = vector.broadcast %add3A_303 : i32 to vector<16xi32>
        %add3A_305 = arith.addi %add3A_304, %iota3A : vector<16xi32>
        %gather3A_306 = tpu.vector_load_idx %arg7[%add3A_305, %and3A_274] : memref<128x128xf32, #tpu.memory_space<vmem>>[vector<16xi32>, vector<16xi32>], vector<16xf32>,
        tpu.vector_store_idx %arg9[%shift_right_arithmetic3A_276, %and3A_279, %add3A_305], %gather3A_306 : memref<8x8x128xf32, #tpu.memory_space<vmem>>[vector<16xi32>, vector<16xi32>, vector<16xi32>], vector<16xf32>,
        %add3A_307 = arith.constant 112 : i32
        %add3A_308 = vector.broadcast %add3A_307 : i32 to vector<16xi32>
        %add3A_309 = arith.addi %add3A_308, %iota3A : vector<16xi32>
        %gather3A_310 = tpu.vector_load_idx %arg7[%add3A_309, %and3A_274] : memref<128x128xf32, #tpu.memory_space<vmem>>[vector<16xi32>, vector<16xi32>], vector<16xf32>,
        tpu.vector_store_idx %arg9[%shift_right_arithmetic3A_276, %and3A_279, %add3A_309], %gather3A_310 : memref<8x8x128xf32, #tpu.memory_space<vmem>>[vector<16xi32>, vector<16xi32>, vector<16xi32>], vector<16xf32>,
      }
      %scan3A_217 = arith.constant 64 : i32
      %jit3A_218 = arith.constant 20 : i32
      %eq3A_219 = arith.constant 0 : i32
      %eq3A_220 = arith.cmpi eq, %jit3A_218, %eq3A_219 : i32
      %jit3A_221 = arith.constant 1 : i32
      %select_n3A_222 = arith.select %eq3A_220, %jit3A_221, %jit3A_218 : i32
      %rem3A_223 = arith.remsi %add3A_152, %select_n3A_222 : i32
      %ne3A_224 = arith.constant 0 : i32
      %ne3A_225 = arith.cmpi ne, %rem3A_223, %ne3A_224 : i32
      %lt3A_226 = arith.constant 0 : i32
      %lt3A_227 = arith.cmpi slt, %rem3A_223, %lt3A_226 : i32
      %lt3A_228 = arith.constant 0 : i32
      %lt3A_229 = arith.cmpi slt, %select_n3A_222, %lt3A_228 : i32
      %ne3A_230 = arith.xori %lt3A_227, %lt3A_229 : i1
      %and3A_231 = arith.andi %ne3A_230, %ne3A_225 : i1
      %add3A_232 = arith.addi %rem3A_223, %select_n3A_222 : i32
      %select_n3A_233 = arith.select %and3A_231, %add3A_232, %rem3A_223 : i32
      %jit3A_234 = arith.constant 20 : i32
      %div3A_235 = arith.divsi %add3A_152, %jit3A_234 : i32
      %sign3A_236 = arith.constant 0 : i32
      %sign3A_237 = arith.cmpi sgt, %add3A_152, %sign3A_236 : i32
      %sign3A_238 = arith.extui %sign3A_237 : i1 to i32
      %sign3A_239 = arith.constant 0 : i32
      %sign3A_240 = arith.cmpi slt, %add3A_152, %sign3A_239 : i32
      %sign3A_241 = arith.extui %sign3A_240 : i1 to i32
      %sign3A_242 = arith.subi %sign3A_238, %sign3A_241 : i32
      %sign3A_243 = arith.constant 0 : i32
      %sign3A_244 = arith.cmpi sgt, %jit3A_234, %sign3A_243 : i32
      %sign3A_245 = arith.extui %sign3A_244 : i1 to i32
      %sign3A_246 = arith.constant 0 : i32
      %sign3A_247 = arith.cmpi slt, %jit3A_234, %sign3A_246 : i32
      %sign3A_248 = arith.extui %sign3A_247 : i1 to i32
      %sign3A_249 = arith.subi %sign3A_245, %sign3A_248 : i32
      %ne3A_250 = arith.cmpi ne, %sign3A_242, %sign3A_249 : i32
      %rem3A_251 = arith.remsi %add3A_152, %jit3A_234 : i32
      %ne3A_252 = arith.constant 0 : i32
      %ne3A_253 = arith.cmpi ne, %rem3A_251, %ne3A_252 : i32
      %and3A_254 = arith.andi %ne3A_250, %ne3A_253 : i1
      %sub3A_255 = arith.constant 1 : i32
      %sub3A_256 = arith.subi %div3A_235, %sub3A_255 : i32
      %select_n3A_257 = arith.select %and3A_254, %sub3A_256, %div3A_235 : i32
      %add3A_258 = arith.addi %mul3A_2, %select_n3A_257 : i32
      %dma_start3A_259 = arith.constant 0 : i32
      %dma_start3A_260 = arith.constant 0 : i32
      %dma_start3A_261 = arith.constant 0 : i32
      %dma_start3A_262 = tpu.memref_slice %arg4[%select_n3A_233, %dma_start3A_259, %add3A_258, %dma_start3A_260, %dma_start3A_261] : memref<20x8x128x8x128xf32, #tpu.memory_space<hbm>> -> memref<1x8x1x8x128xf32, #tpu.memory_space<hbm>>
      %dma_start3A_263 = tpu.memref_squeeze %dma_start3A_262 : memref<1x8x1x8x128xf32, #tpu.memory_space<hbm>> -> memref<8x8x128xf32, #tpu.memory_space<hbm>>
      %dma_start3A_264 = arith.constant 0 : i32
      %dma_start3A_265 = arith.constant 0 : i32
      %dma_start3A_266 = arith.constant 0 : i32
      %dma_start3A_267 = tpu.memref_slice %arg4[%select_n3A_233, %dma_start3A_264, %add3A_258, %dma_start3A_265, %dma_start3A_266] : memref<20x8x128x8x128xf32, #tpu.memory_space<hbm>> -> memref<1x8x1x8x128xf32, #tpu.memory_space<hbm>>
      %dma_start3A_268 = tpu.memref_squeeze %dma_start3A_267 : memref<1x8x1x8x128xf32, #tpu.memory_space<hbm>> -> memref<8x8x128xf32, #tpu.memory_space<hbm>>
      tpu.enqueue_dma source(%arg9 : memref<8x8x128xf32, #tpu.memory_space<vmem>>) target(%dma_start3A_268 : memref<8x8x128xf32, #tpu.memory_space<hbm>>) target_semaphore(%arg13 : memref<!tpu.dma_semaphore, #tpu.memory_space<semaphore_mem>>)
    }
    %scan3A_15 = arith.constant 40 : i32
    %add3A_16 = arith.constant 3 : i32
    %add3A_17 = arith.addi %mul3A_2, %add3A_16 : i32
    %dma_wait3A = arith.constant 18 : i32
    %dma_wait3A_18 = arith.constant 0 : i32
    %dma_wait3A_19 = arith.constant 0 : i32
    %dma_wait3A_20 = arith.constant 0 : i32
    %dma_wait3A_21 = tpu.memref_slice %arg4[%dma_wait3A, %dma_wait3A_18, %add3A_17, %dma_wait3A_19, %dma_wait3A_20] : memref<20x8x128x8x128xf32, #tpu.memory_space<hbm>> -> memref<1x8x1x8x128xf32, #tpu.memory_space<hbm>>
    %dma_wait3A_22 = tpu.memref_squeeze %dma_wait3A_21 : memref<1x8x1x8x128xf32, #tpu.memory_space<hbm>> -> memref<8x8x128xf32, #tpu.memory_space<hbm>>
    %dma_wait3A_23 = arith.constant 0 : i32
    %dma_wait3A_24 = arith.constant 0 : i32
    %dma_wait3A_25 = arith.constant 0 : i32
    %dma_wait3A_26 = tpu.memref_slice %arg4[%dma_wait3A, %dma_wait3A_23, %add3A_17, %dma_wait3A_24, %dma_wait3A_25] : memref<20x8x128x8x128xf32, #tpu.memory_space<hbm>> -> memref<1x8x1x8x128xf32, #tpu.memory_space<hbm>>
    %dma_wait3A_27 = tpu.memref_squeeze %dma_wait3A_26 : memref<1x8x1x8x128xf32, #tpu.memory_space<hbm>> -> memref<8x8x128xf32, #tpu.memory_space<hbm>>
    tpu.wait_dma2 semaphore(%arg12 : memref<!tpu.dma_semaphore, #tpu.memory_space<semaphore_mem>>) src(%arg8 : memref<8x8x128xf32, #tpu.memory_space<vmem>>) dst(%dma_wait3A_27 : memref<8x8x128xf32, #tpu.memory_space<hbm>>)
    %add3A_28 = arith.constant 3 : i32
    %add3A_29 = arith.addi %mul3A_2, %add3A_28 : i32
    %dma_wait3A_30 = arith.constant 19 : i32
    %dma_wait3A_31 = arith.constant 0 : i32
    %dma_wait3A_32 = arith.constant 0 : i32
    %dma_wait3A_33 = arith.constant 0 : i32
    %dma_wait3A_34 = tpu.memref_slice %arg4[%dma_wait3A_30, %dma_wait3A_31, %add3A_29, %dma_wait3A_32, %dma_wait3A_33] : memref<20x8x128x8x128xf32, #tpu.memory_space<hbm>> -> memref<1x8x1x8x128xf32, #tpu.memory_space<hbm>>
    %dma_wait3A_35 = tpu.memref_squeeze %dma_wait3A_34 : memref<1x8x1x8x128xf32, #tpu.memory_space<hbm>> -> memref<8x8x128xf32, #tpu.memory_space<hbm>>
    %dma_wait3A_36 = arith.constant 0 : i32
    %dma_wait3A_37 = arith.constant 0 : i32
    %dma_wait3A_38 = arith.constant 0 : i32
    %dma_wait3A_39 = tpu.memref_slice %arg4[%dma_wait3A_30, %dma_wait3A_36, %add3A_29, %dma_wait3A_37, %dma_wait3A_38] : memref<20x8x128x8x128xf32, #tpu.memory_space<hbm>> -> memref<1x8x1x8x128xf32, #tpu.memory_space<hbm>>
    %dma_wait3A_40 = tpu.memref_squeeze %dma_wait3A_39 : memref<1x8x1x8x128xf32, #tpu.memory_space<hbm>> -> memref<8x8x128xf32, #tpu.memory_space<hbm>>
    tpu.wait_dma2 semaphore(%arg13 : memref<!tpu.dma_semaphore, #tpu.memory_space<semaphore_mem>>) src(%arg9 : memref<8x8x128xf32, #tpu.memory_space<vmem>>) dst(%dma_wait3A_40 : memref<8x8x128xf32, #tpu.memory_space<hbm>>)
    return
  }
}

</mosaic_0001>

<sc_bundles>
// kernel: kernel.3.cloned.1.call-start
scs
__scs_entry_jumppad:
0x0: {  	(pc) =	sbr.rel $0x88, $3  }
0x1: {  	(tag) =	ssettag $0x0;
	lr =	simm.s32 $0x1  }
0x2: {  	[smem:$0x3F9F] =	sst lr;
	_ =	strace $0xD0000000  }
0x3: {  	_ = 	snop  }
0x4: {  	_ = 	snop  }
0x5: {  	_ = 	snop  }
0x6: {  	_ = 	snop  }
0x7: {  	_ = 	snop  }
__scs_overlays_trampoline_lowered:
0x8: {  	[smem:$0x3FAE] =	sst s0  }
0x9: {  	[smem:$0x3FAF] =	sst s1  }
0xa: {  	[smem:$0x3FB0] =	sst s2  }
0xb: {  	[smem:$0x3FB1] =	sst s3  }
0xc: {  	[smem:$0x3FB2] =	sst s4  }
0xd: {  	[smem:$0x3FB3] =	sst s5  }
0xe: {  	[smem:$0x3FB4] =	sst s6  }
0xf: {  	[smem:$0x3FB5] =	sst s7  }
0x10: {  	[smem:$0x3FB6] =	sst s8  }
0x11: {  	[smem:$0x3FB7] =	sst s9;
	s0 =	simm.s32 @!p0 $0x0  }
0x12: {  	s1 =	sld [smem:$0x3F9D];
	s0 =	simm.s32 @p0 $0x1  }
0x13: {  	[smem:$0x3FB8] =	sst s0;
	s0 =	simm.s32 @!p1 $0x0  }
0x14: {  	s2 =	sld [smem:$0x3F9C];
	s0 =	simm.s32 @p1 $0x1  }
0x15: {  	[smem:$0x3FB9] =	sst s0;
	s0 =	simm.s32 @!p2 $0x0  }
0x16: {  	s3 =	sld [smem:$0x3FDB];
	s0 =	simm.s32 @p2 $0x1  }
0x17: {  	s4 =	simm.s32 $0x1BF5;
	[smem:$0x3FBB] =	sst s0  }
0x18: {  	s0 =	sld [smem:$0x3F9E];
	_ =	swait.ge [sflag:s4], $0x0  }
0x19: {  	s7 =	sld [smem:$0x3F9F]  }
0x1a: {  	s8 =	sadd.s32 $0xFFFFE003, lr  }
0x1b: {  	s9 =	sadd.s32 $0xFFFFFEF7, lr;
	s5 =	simm.s32 $0xFFFFFFFF;
	p2 =	slt.u32 s8, $0xFFFFF086  }
0x1c: {  	p1 =	slt.u32 s9, $0xF7A;
	s5 =	simm.s32 @!p2 $0x0  }
0x1d: {  	s5 =	simm.s32 @p1 $0x1;
	p0 =	seq.s32 s7, s2  }
0x1e: {  	s7 =	smul.u32 @!p0 $0xF7A, s2;
	p2 =	seq.s32 @!p0 s5, $0x0  }
0x1f: {  	s9 =	smul.u32 $0xF7A, s1;
	s8 =	simm.s32 @!p0 $0x1BF5;
	p2 =	por !p2, p0  }
0x20: {  	[sflag:s8] =	ssyncset.s32 @!p0 $0xFFFFF086;
	s6 =	sadd.s32 @!p0 s3, s7;
	s7 =	simm.s32 @!p0 $0x108  }
0x21: {  	s3 =	sadd.s32 s3, s9;
	s6 =	sadd.s32 @!p0 $0x88, s6;
	s7 =	simm.s32 @p2 $0x1082  }
0x22: {  	[simem:s7], [sflag:s8] =	dma.local @!p0 [hbm:s6], $0xF7A  }
0x23: {  	s9 =	sor.u32 $0xD0000000, s2;
	s6 =	simm.s32 $0x108;
	_ =	swait.ge @!p0 [sflag:s8], $0x0  }
0x24: {  	s3 =	sadd.s32 $0x88, s3;
	s6 =	simm.s32 @!p1 $0x1082;
	[sflag:s4] =	ssyncset.s32 $0xFFFFF086  }
0x25: {  	[simem:s6], [sflag:s4] =	dma.local [hbm:s3], $0xF7A  }
0x26: {  	[smem:$0x3F9F] =	sst s1;
	(tag) =	ssettag s2;
	_ =	strace s9  }
0x27: {  	s1 =	sld [smem:$0x3FAF]  }
0x28: {  	s2 =	sld [smem:$0x3FB0]  }
0x29: {  	s4 =	sld [smem:$0x3FB2]  }
0x2a: {  	p0 =	seq.s32 s5, $0x0;
	s5 =	sld [smem:$0x3FB3]  }
0x2b: {  	s6 =	sld [smem:$0x3FB4]  }
0x2c: {  	s7 =	sld [smem:$0x3FB5]  }
0x2d: {  	s3 =	simm.s32 $0x108;
	s8 =	sld [smem:$0x3FB6]  }
0x2e: {  	s3 =	simm.s32 @!p0 $0x1082;
	s9 =	sld [smem:$0x3FB7]  }
0x2f: {  	lr =	sadd.s32 s0, s3;
	s0 =	sld [smem:$0x3FAE]  }
0x30: {  	s3 =	sld [smem:$0x3FB1]  }
0x31: {  	[smem:$0x3FBA] =	sst s10  }
0x32: {  	s10 =	sld [smem:$0x3FB8];
	_ =	sdelay $0x3  }
0x33: {  	p0 =	seq.s32 s10, $0x1;
	s10 =	sld [smem:$0x3FBA];
	_ =	sdelay $0x3  }
0x34: {  	[smem:$0x3FBA] =	sst s10  }
0x35: {  	s10 =	sld [smem:$0x3FB9];
	_ =	sdelay $0x3  }
0x36: {  	p1 =	seq.s32 s10, $0x1;
	s10 =	sld [smem:$0x3FBA];
	_ =	sdelay $0x3  }
0x37: {  	[smem:$0x3FBA] =	sst s10  }
0x38: {  	s10 =	sld [smem:$0x3FBB]  }
0x39: {  	_ = 	snop;
	(pc) =	sbr.ind lr, $3  }
0x3a: {  	_ = 	snop  }
0x3b: {  	_ = 	snop  }
0x3c: {  	p2 =	seq.s32 s10, $0x1;
	s10 =	sld [smem:$0x3FBA]  }
0x3d: {  	_ =	shalt  }
0x3e: {  	_ =	shalt  }
0x3f: {  	_ =	shalt  }
0x40: {  	_ =	shalt  }
0x41: {  	_ =	shalt  }
0x42: {  	_ =	shalt  }
0x43: {  	_ =	shalt  }
0x44: {  	_ =	shalt  }
0x45: {  	_ =	shalt  }
0x46: {  	_ =	shalt  }
0x47: {  	_ =	shalt  }
0x48: {  	_ =	shalt  }
0x49: {  	_ =	shalt  }
0x4a: {  	_ =	shalt  }
0x4b: {  	_ =	shalt  }
0x4c: {  	_ =	shalt  }
0x4d: {  	_ =	shalt  }
0x4e: {  	_ =	shalt  }
0x4f: {  	_ =	shalt  }
0x50: {  	_ =	shalt  }
0x51: {  	_ =	shalt  }
0x52: {  	_ =	shalt  }
0x53: {  	_ =	shalt  }
0x54: {  	_ =	shalt  }
0x55: {  	_ =	shalt  }
0x56: {  	_ =	shalt  }
0x57: {  	_ =	shalt  }
0x58: {  	_ =	shalt  }
0x59: {  	_ =	shalt  }
0x5a: {  	_ =	shalt  }
0x5b: {  	_ =	shalt  }
0x5c: {  	_ =	shalt  }
0x5d: {  	_ =	shalt  }
0x5e: {  	_ =	shalt  }
0x5f: {  	_ =	shalt  }
0x60: {  	_ =	shalt  }
0x61: {  	_ =	shalt  }
0x62: {  	_ =	shalt  }
0x63: {  	_ =	shalt  }
0x64: {  	_ =	shalt  }
0x65: {  	_ =	shalt  }
0x66: {  	_ =	shalt  }
0x67: {  	_ =	shalt  }
0x68: {  	_ =	shalt  }
0x69: {  	_ =	shalt  }
0x6a: {  	_ =	shalt  }
0x6b: {  	_ =	shalt  }
0x6c: {  	_ =	shalt  }
0x6d: {  	_ =	shalt  }
0x6e: {  	_ =	shalt  }
0x6f: {  	_ =	shalt  }
0x70: {  	_ =	shalt  }
0x71: {  	_ =	shalt  }
0x72: {  	_ =	shalt  }
0x73: {  	_ =	shalt  }
0x74: {  	_ =	shalt  }
0x75: {  	_ =	shalt  }
0x76: {  	_ =	shalt  }
0x77: {  	_ =	shalt  }
0x78: {  	_ =	shalt  }
0x79: {  	_ =	shalt  }
0x7a: {  	_ =	shalt  }
0x7b: {  	_ =	shalt  }
0x7c: {  	_ =	shalt  }
0x7d: {  	_ =	shalt  }
0x7e: {  	_ =	shalt  }
0x7f: {  	_ =	shalt  }
0x80: {  	_ =	shalt  }
0x81: {  	_ =	shalt  }
0x82: {  	_ =	shalt  }
0x83: {  	_ =	shalt  }
0x84: {  	_ =	shalt  }
0x85: {  	_ =	shalt  }
0x86: {  	_ =	shalt  }
0x87: {  	_ =	shalt  }
.Lfunc_end0:
.L_simem_size_0:
called_computation_lowered:
.L_overlay_start_0:
0x88: {  	s2 =	sld [smem:$0x3FD9]  }
0x89: {  	s3 =	sld [smem:$0x3FFE];
	_ =	sdelay $0x1  }
0x8a: {  	s1 =	srdreg.scid  }
0x8b: {  	s0 =	sand.u32 $0x1, s1  }
0x8c: {  	s17 =	sshll.u32 s0, $0xA;
	s2 =	sadd.s32 s3, s2  }
0x8d: {  	s2 =	sadd.s32 s2, s17  }
0x8e: {  	[smem:$0x3FC6] =	sst s2  }
0x8f: {  	_ = 	snop  }
0x90: {  	s2 =	sld [smem:$0x3FD0];
	(tm) =	ssettm $0x1  }
0x91: {  	s18 =	sld [smem:$0x3FFB];
	_ =	sdelay $0x3  }
0x92: {  	_ =	strace s18  }
0x93: {  	s3 =	sld [smem:$0x3FFC];
	_ =	sdelay $0x3  }
0x94: {  	_ =	strace s3  }
0x95: {  	s3 =	sld [smem:$0x3FFD];
	_ =	sdelay $0x3  }
0x96: {  	_ =	strace s3  }
0x97: {  	_ =	strace $0x8FFFFFFF  }
0x98: {  	s19 =	sld [smem:$0x3FDB];
	_ =	sdelay $0x1  }
0x99: {  	s4 =	simm.s32 $_scs_section_size  }
0x9a: {  	s5 =	simm.s32 $_size__tile_overlayer_lowered;
	s6 =	simm.s32 $_tile_overlayer_lowered  }
0x9b: {  	s22 =	simm.s32 $0x1BFF;
	s21 =	sshll.u32 s6, $0x1;
	s3 =	sadd.s32 s4, s19  }
0x9c: {  	s7 =	simm.s32 $0x0;
	s20 =	sshll.u32 s5, $0x1;
	s5 =	sadd.s32 s21, s3  }
0x9d: {  	[timem:s7], [sflag:s22] =	dma.local [hbm:s5], s20  }
0x9e: {  	_ =	swait.ge [sflag:s22], s20  }
0x9f: {  	s4 =	ssub.s32 $0x0, s20;
	[sflag:s22] =	ssyncset.done $0x0  }
0xa0: {  	[sflag:s22] =	ssyncadd.s32 s4;
	_ =	sdelay $0x1  }
0xa1: {  	s23 =	simm.s32 $0x1B8B  }
0xa2: {  	_ =	swait.ge [sflag:s23], $0x1  }
0xa3: {  	[sflag:s23] =	ssyncset.done $0x0  }
0xa4: {  	s25 =	simm.s32 $0x1B8E;
	s24 =	sld [smem:$0x3FFE];
	[sflag:s23] =	ssyncadd.s32 $0xFFFFFFFF  }
0xa5: {  	s26 =	simm.s32 $execute0_lowered;
	[smem:$0x3FD2] =	sst s25  }
0xa6: {  	s5 =	sshll.u32 s26, $0x1;
	_ =	strace $0x80000046;
	[dreg:$0x1] =	wrdreg $0xFFFFFFFF  }
0xa7: {  	s28 =	simm.s32 $_size_execute0_lowered;
	s3 =	sadd.s32 s3, s5;
	[dreg:$0x0] =	wrdreg $0x0  }
0xa8: {  	s5 =	sshll.u32 s28, $0x1;
	[dreg:$0x2] =	wrdreg s3  }
0xa9: {  	[dreg:$0x3] =	wrdreg s5  }
0xaa: {  	[dreg:$0x4] =	wrdreg $0xC0  }
0xab: {  	_ =	task [dreg:s7], $0x5FFFF  }
0xac: {  	[dreg:$0x1] =	wrdreg $0xFFFFFFFF  }
0xad: {  	[dreg:$0x0] =	wrdreg $0x60  }
0xae: {  	[dreg:$0x2] =	wrdreg s24  }
0xaf: {  	[dreg:$0x3] =	wrdreg s2  }
0xb0: {  	[dreg:$0x4] =	wrdreg $0x9  }
0xb1: {  	_ =	task.clear_ibuf [dreg:s7], $0x5FFFF;
	_ =	strace $0x90000046  }
0xb2: {  	s29 =	simm.s32 $0x9;
	_ =	strace $0x80000048  }
0xb3: {  	_ =	swait.ge [sflag:s29], $0x1  }
0xb4: {  	[sflag:s29] =	ssyncadd.s32 $0xFFFFFFFF  }
0xb5: {  	_ =	strace $0x90000048  }
0xb6: {  	_ =	sfence  }
0xb7: {  	s30 =	sld [smem:$0x0];
	_ =	sdelay $0x2  }
0xb8: {  	s31 =	sshll.u32 s1, $0xD;
	s1 =	sshrl.u32 s1, $0x2  }
0xb9: {  	s3 =	sand.u32 $0x4000, s31;
	s1 =	sadd.s32 s1, s30  }
0xba: {  	s0 =	sor.u32 s3, s0;
	s1 =	sshll.u32 s1, $0x11  }
0xbb: {  	s0 =	sor.u32 s1, s0  }
0xbc: {  	s0 =	sadd.s32 $0x8F2B, s0  }
0xbd: {  	[sflag:s0] =	ssyncadd.remote.s32 $0x1  }
0xbe: {  	_ =	sfence.sel $0xFFFF  }
0xbf: {  	[dreg:$0x0] =	wrdreg $0xFFFFFFFF;
	(pc) =	sbr.abs _section_cstart, $3  }
0xc0: {  	[dreg:$0x1] =	wrdreg $0xFFFFFFFF  }
0xc1: {  	_ =	task.clear_ibuf [dreg:s7], $0x2FFFF;
	_ =	strace $0x9FFFFFFF  }
0xc2: {  	(tm) =	ssettm $0x7FFFFFFF  }
0xc3: {  	_ =	shalt  }
tec
execute0_lowered:
.L_overlay_start_1:
0x0: {  	(tag) =	ssettag $0x1  }
0x1: {  	s5 =	rddreg [dreg:$0x0]  }
0x2: {  	s2 =	rddreg [dreg:$0x1]  }
0x3: {  	s0 =	rddreg [dreg:$0x2]  }
0x4: {  	s4 =	srdreg.scid;
	s1 =	stileid.u32  }
0x5: {  	s3 =	simm.s32 $0x0;
	s10 =	simm.s32 $0x5;
	s11 =	simm.s32 $0x80  }
0x6: {  	s12 =	simm.s32 $0x2800;
	s13 =	simm.s32 $0x6800;
	s14 =	simm.s32 $0x1  }
0x7: {  	s15 =	simm.s32 $0xA800;
	s16 =	simm.s32 $0x400;
	s17 =	simm.s32 $0x20000  }
0x8: {  	v0 =	vlaneseq.u32;
	s18 =	simm.s32 $0x2;
	s19 =	simm.s32 $0x4;
	s20 =	simm.s32 $0xC800  }
0x9: {  	s21 =	simm.s32 $0x3;
	s4 =	sand.u32 $0x1, s4;
	s6 =	sshll.u32 s1, $0x1;
	v1 =	vmul.u32 $0x80, v0  }
0xa: {  	s22 =	simm.s32 $0x0;
	[smem:$0x7FF] =	sst s3;
	v3 =	vor.u32 $0x10, v0;
	v5 =	vor.u32 $0x20, v0;
	v7 =	vor.u32 $0x30, v0;
	s6 =	sor.u32 s4, s6  }
0xb: {  	v9 =	vor.u32 $0x40, v0;
	v11 =	vor.u32 $0x50, v0;
	s7 =	ssub.s32 $0x2, s4;
	_ =	strace $0x80000047;
	s4 =	sadd.s32 $0xF4CA00, s5  }
0xc: {  	v13 =	vor.u32 $0x60, v0;
	v15 =	vor.u32 $0x70, v0;
	s8 =	sshll.u32 s6, $0x6;
	s9 =	sshrl.u32 s7, $0x1;
	s6 =	sshll.u32 s6, $0x9;
	v2 =	vor.u32 $0x800, v1  }
0xd: {  	v4 =	vor.u32 $0x1000, v1;
	v6 =	vor.u32 $0x1800, v1;
	v8 =	vor.u32 $0x2000, v1;
	s5 =	sadd.s32 s8, s5;
	s7 =	ssub.s32 s7, s9;
	s8 =	simm.s32 $0x200  }
0xe: {  	v10 =	vor.u32 $0x2800, v1;
	v12 =	vor.u32 $0x3000, v1;
	v14 =	vor.u32 $0x3800, v1;
	s9 =	simm.s32 $0x4000;
	s5 =	sadd.s32 $0xF42A00, s5;
	s7 =	smax.u32 s7, $0x1  }
.LBB2_1:
0xf: {  	[tilespmem:s3], [sflag:$0x5] =	stream.strided.gather [hbm4b:s5+s8], $0x2800, s9, s8, $0x38;
	[tilespmem:$0xE800] =	vst v63  }
0x10: {  	_ =	swait.ge [sflag:s10], $0x2800  }
0x11: {  	[sflag:s10] =	ssyncset.done $0x0  }
0x12: {  	s23 =	simm.s32 $0x0;
	[sflag:s10] =	ssyncadd.s32 $0xFFFFD800  }
0x13: {  	[tilespmem:s12], [sflag:$0x1] =	stream.indirect.gather [hbm4b:s4+s11], $0x80, s3, s11, $0xb8;
	[tilespmem:$0xE800] =	vst v63  }
.LBB2_2:
0x14: {  	s24 =	sshllo.u32 s23, $0x1  }
0x15: {  	s25 =	sand.u32 $0xFF, s24  }
0x16: {  	s25 =	smul.u32 $0xCD, s25;
	_ =	sdelay $0x1  }
0x17: {  	s26 =	smul.u32 $0xCD, s23;
	s25 =	sshrl.u32 s25, $0xC  }
0x18: {  	s25 =	smul.u32 $0x14, s25;
	_ =	sdelay $0x1  }
0x19: {  	s30 =	sshrl.u32 s26, $0xB;
	s24 =	ssub.s32 s24, s25  }
0x1a: {  	s25 =	sand.u32 $0x1F, s30;
	s24 =	sand.u32 $0xFF, s24  }
0x1b: {  	s25 =	sshll.u32 s25, $0x7;
	s31 =	sshll.u32 s24, $0x9  }
0x1c: {  	s28 =	simm.s32 $0x0;
	s26 =	sadd.s32 s25, s31  }
0x1d: {  	v16 =	vadd.s32 s28, v0;
	[tilespmem:s13], [sflag:$0x2] =	stream.indirect.gather [hbm4b:s4+s11], $0x80, s26, s11, $0xb8;
	[tilespmem:$0xE800] =	vst v63  }
0x1e: {  	v17 =	vand.u32 $0x3F, v16;
	_ =	swait.ge [sflag:s14], $0x4000  }
0x1f: {  	p0 =	seq.s32 s23, $0x0;
	v18 =	vor.u32 v1, v17;
	[sflag:s14] =	ssyncset.done $0x0  }
0x20: {  	s26 =	simm.s32 @!p0 $0x3;
	[sflag:s14] =	ssyncadd.s32 $0xFFFFC000  }
0x21: {  	_ =	swait.ge @!p0 [sflag:s26], $0x2000  }
0x22: {  	v16 =	vshll.u32 v16, $0x7;
	[sflag:s26] =	ssyncset.done @!p0 $0x0  }
0x23: {  	v16 =	vand.u32 $0x1F80, v16;
	[sflag:s26] =	ssyncadd.s32 @!p0 $0xFFFFE000  }
0x24: {  	v19 =	vor.u32 v0, v16;
	v18 =	vld.idx.msk [tilespmem:v18+s12+$0x0], $0xffff  }
0x25: {  	v20 =	vor.u32 v2, v17;
	_ =	sdelay $0x3  }
0x26: {  	[tilespmem:v19+s15+$0x0] =	vst.idx.msk $0xffff, v18  }
0x27: {  	v19 =	vor.u32 v3, v16;
	v18 =	vld.idx.msk [tilespmem:v20+s12+$0x0], $0xffff  }
0x28: {  	v20 =	vor.u32 v4, v17;
	_ =	sdelay $0x3  }
0x29: {  	[tilespmem:v19+s15+$0x0] =	vst.idx.msk $0xffff, v18  }
0x2a: {  	v19 =	vor.u32 v5, v16;
	v18 =	vld.idx.msk [tilespmem:v20+s12+$0x0], $0xffff  }
0x2b: {  	v20 =	vor.u32 v6, v17;
	_ =	sdelay $0x3  }
0x2c: {  	[tilespmem:v19+s15+$0x0] =	vst.idx.msk $0xffff, v18  }
0x2d: {  	v19 =	vor.u32 v7, v16;
	v18 =	vld.idx.msk [tilespmem:v20+s12+$0x0], $0xffff  }
0x2e: {  	v20 =	vor.u32 v8, v17;
	_ =	sdelay $0x3  }
0x2f: {  	[tilespmem:v19+s15+$0x0] =	vst.idx.msk $0xffff, v18  }
0x30: {  	v19 =	vor.u32 v9, v16;
	v18 =	vld.idx.msk [tilespmem:v20+s12+$0x0], $0xffff  }
0x31: {  	v20 =	vor.u32 v10, v17;
	_ =	sdelay $0x3  }
0x32: {  	[tilespmem:v19+s15+$0x0] =	vst.idx.msk $0xffff, v18  }
0x33: {  	v19 =	vor.u32 v11, v16;
	v18 =	vld.idx.msk [tilespmem:v20+s12+$0x0], $0xffff  }
0x34: {  	v20 =	vor.u32 v12, v17;
	_ =	sdelay $0x3  }
0x35: {  	[tilespmem:v19+s15+$0x0] =	vst.idx.msk $0xffff, v18  }
0x36: {  	v19 =	vor.u32 v13, v16;
	v18 =	vld.idx.msk [tilespmem:v20+s12+$0x0], $0xffff  }
0x37: {  	v20 =	vor.u32 v14, v17;
	_ =	sdelay $0x3  }
0x38: {  	s28 =	simm.s32 $0x1;
	[tilespmem:v19+s15+$0x0] =	vst.idx.msk $0xffff, v18  }
0x39: {  	s26 =	sshll.u32 s23, $0x1;
	v17 =	vadd.s32 s28, v0;
	s28 =	simm.s32 $0x2;
	v18 =	vld.idx.msk [tilespmem:v20+s12+$0x0], $0xffff  }
.LBB2_3:
0x3a: {  	p1 =	sne.s32 s28, $0x3F;
	v19 =	vand.u32 $0x3F, v17;
	v16 =	vor.u32 v15, v16  }
0x3b: {  	v20 =	vor.u32 v1, v19;
	_ =	sdelay $0x3  }
0x3c: {  	v17 =	vshll.u32 v17, $0x7;
	[tilespmem:v16+s15+$0x0] =	vst.idx.msk $0xffff, v18  }
0x3d: {  	v16 =	vand.u32 $0x1F80, v17;
	v18 =	vld.idx.msk [tilespmem:v20+s12+$0x0], $0xffff  }
0x3e: {  	v17 =	vor.u32 v0, v16  }
0x3f: {  	v20 =	vor.u32 v2, v19;
	_ =	sdelay $0x3  }
0x40: {  	[tilespmem:v17+s15+$0x0] =	vst.idx.msk $0xffff, v18  }
0x41: {  	v17 =	vld.idx.msk [tilespmem:v20+s12+$0x0], $0xffff  }
0x42: {  	v18 =	vor.u32 v3, v16  }
0x43: {  	v20 =	vor.u32 v4, v19;
	_ =	sdelay $0x3  }
0x44: {  	[tilespmem:v18+s15+$0x0] =	vst.idx.msk $0xffff, v17  }
0x45: {  	v17 =	vld.idx.msk [tilespmem:v20+s12+$0x0], $0xffff  }
0x46: {  	v18 =	vor.u32 v5, v16  }
0x47: {  	v20 =	vor.u32 v6, v19;
	_ =	sdelay $0x3  }
0x48: {  	[tilespmem:v18+s15+$0x0] =	vst.idx.msk $0xffff, v17  }
0x49: {  	v17 =	vld.idx.msk [tilespmem:v20+s12+$0x0], $0xffff  }
0x4a: {  	v18 =	vor.u32 v7, v16  }
0x4b: {  	v20 =	vor.u32 v8, v19;
	_ =	sdelay $0x3  }
0x4c: {  	[tilespmem:v18+s15+$0x0] =	vst.idx.msk $0xffff, v17  }
0x4d: {  	v17 =	vld.idx.msk [tilespmem:v20+s12+$0x0], $0xffff  }
0x4e: {  	v18 =	vor.u32 v9, v16  }
0x4f: {  	v20 =	vor.u32 v10, v19;
	_ =	sdelay $0x3  }
0x50: {  	[tilespmem:v18+s15+$0x0] =	vst.idx.msk $0xffff, v17  }
0x51: {  	v17 =	vld.idx.msk [tilespmem:v20+s12+$0x0], $0xffff  }
0x52: {  	v18 =	vor.u32 v11, v16  }
0x53: {  	v20 =	vor.u32 v12, v19;
	_ =	sdelay $0x3  }
0x54: {  	[tilespmem:v18+s15+$0x0] =	vst.idx.msk $0xffff, v17  }
0x55: {  	v17 =	vld.idx.msk [tilespmem:v20+s12+$0x0], $0xffff  }
0x56: {  	v18 =	vor.u32 v13, v16  }
0x57: {  	v19 =	vor.u32 v14, v19  }
.Ltmp0:
0x58: {  	(pc) =	sbr.rel @p1 .LBB2_3-.Ltmp0, $3  }
0x59: {  	_ =	sdelay $0x1  }
0x5a: {  	[tilespmem:v18+s15+$0x0] =	vst.idx.msk $0xffff, v17  }
0x5b: {  	v17 =	vadd.s32 s28, v0;
	s28 =	sadd.s32 $0x1, s28;
	v18 =	vld.idx.msk [tilespmem:v19+s12+$0x0], $0xffff  }
0x5c: {  	v19 =	vand.u32 $0x3F, v17;
	v16 =	vor.u32 v15, v16  }
0x5d: {  	v20 =	vor.u32 v1, v19;
	_ =	sdelay $0x2  }
0x5e: {  	v17 =	vshll.u32 v17, $0x7  }
0x5f: {  	[tilespmem:v16+s15+$0x0] =	vst.idx.msk $0xffff, v18;
	v16 =	vand.u32 $0x1F80, v17  }
0x60: {  	v17 =	vld.idx.msk [tilespmem:v20+s12+$0x0], $0xffff;
	v51 =	vor.u32 v0, v16  }
0x61: {  	v52 =	vor.u32 v2, v19;
	_ =	sdelay $0x3  }
0x62: {  	[tilespmem:v51+s15+$0x0] =	vst.idx.msk $0xffff, v17  }
0x63: {  	v53 =	vor.u32 v3, v16;
	v17 =	vld.idx.msk [tilespmem:v52+s12+$0x0], $0xffff  }
0x64: {  	v54 =	vor.u32 v4, v19;
	_ =	sdelay $0x3  }
0x65: {  	[tilespmem:v53+s15+$0x0] =	vst.idx.msk $0xffff, v17  }
0x66: {  	v55 =	vor.u32 v5, v16;
	v17 =	vld.idx.msk [tilespmem:v54+s12+$0x0], $0xffff  }
0x67: {  	v56 =	vor.u32 v6, v19;
	_ =	sdelay $0x3  }
0x68: {  	[tilespmem:v55+s15+$0x0] =	vst.idx.msk $0xffff, v17  }
0x69: {  	v57 =	vor.u32 v7, v16;
	v17 =	vld.idx.msk [tilespmem:v56+s12+$0x0], $0xffff  }
0x6a: {  	v58 =	vor.u32 v8, v19;
	_ =	sdelay $0x3  }
0x6b: {  	[tilespmem:v57+s15+$0x0] =	vst.idx.msk $0xffff, v17  }
0x6c: {  	v59 =	vor.u32 v9, v16;
	v17 =	vld.idx.msk [tilespmem:v58+s12+$0x0], $0xffff  }
0x6d: {  	v60 =	vor.u32 v10, v19;
	_ =	sdelay $0x3  }
0x6e: {  	[tilespmem:v59+s15+$0x0] =	vst.idx.msk $0xffff, v17  }
0x6f: {  	v61 =	vor.u32 v11, v16;
	v17 =	vld.idx.msk [tilespmem:v60+s12+$0x0], $0xffff  }
0x70: {  	v62 =	vor.u32 v12, v19;
	_ =	sdelay $0x3  }
0x71: {  	[tilespmem:v61+s15+$0x0] =	vst.idx.msk $0xffff, v17  }
0x72: {  	v63 =	vor.u32 v13, v16;
	v17 =	vld.idx.msk [tilespmem:v62+s12+$0x0], $0xffff  }
0x73: {  	v19 =	vor.u32 v14, v19;
	_ =	sdelay $0x1  }
0x74: {  	s28 =	smulhi.u32 $0x66666667, s26;
	_ =	sdelay $0x1  }
0x75: {  	s28 =	sshrl.u32 s28, $0x3;
	[tilespmem:v63+s15+$0x0] =	vst.idx.msk $0xffff, v17  }
0x76: {  	s28 =	smul.u32 $0x14, s28;
	v16 =	vor.u32 v15, v16;
	v17 =	vld.idx.msk [tilespmem:v19+s12+$0x0], $0xffff  }
0x77: {  	p1 =	sne.s32 s23, $0x27  }
.Ltmp1:
0x78: {  	s28 =	ssub.s32 s26, s28;
	(pc) =	sbr.rel @p1 .LBB2_6-.Ltmp1, $4  }
0x79: {  	s28 =	sshll.u32 s28, $0x11  }
0x7a: {  	s25 =	sadd.s32 s6, s25;
	s28 =	sadd.s32 s2, s28  }
0x7b: {  	s28 =	sadd.s32 s25, s28;
	[tilespmem:v16+s15+$0x0] =	vst.idx.msk $0xffff, v17  }
0x7c: {  	[hbm4b:s28+s16] =	stream.strided.scatter [tilespmem:s15], [sflag:$0x3], $0x2000, s17, s16, $0x38;
	[tilespmem:$0xE800] =	vst v63  }
.Ltmp2:
0x7d: {  	(pc) =	sbr.rel .LBB2_7-.Ltmp2, $4  }
0x7e: {  	_ = 	snop  }
0x7f: {  	_ =	swait.ge [sflag:s18], $0x4000  }
0x80: {  	[sflag:s18] =	ssyncset.done $0x0  }
0x81: {  	[sflag:s18] =	ssyncadd.s32 $0xFFFFC000  }
.LBB2_6:
0x82: {  	s26 =	sadd.s32 $0x2, s26  }
0x83: {  	s28 =	smulhi.u32 $0x66666667, s26;
	_ =	sdelay $0x1  }
0x84: {  	s29 =	sshrl.u32 s28, $0x3  }
0x85: {  	s29 =	smul.u32 $0x14, s29;
	_ =	sdelay $0x1  }
0x86: {  	s28 =	sshll.u32 s28, $0x4;
	s26 =	ssub.s32 s26, s29  }
0x87: {  	s28 =	sand.u32 $0x3FFFFF80, s28;
	s26 =	sshll.u32 s26, $0x9  }
.Ltmp3:
0x88: {  	s26 =	sadd.s32 s28, s26;
	(pc) =	sbr.rel @p0 .LBB2_8-.Ltmp3, $4  }
0x89: {  	[tilespmem:s12], [sflag:$0x1] =	stream.indirect.gather [hbm4b:s4+s11], $0x80, s26, s11, $0xb8;
	[tilespmem:$0xE800] =	vst v63  }
0x8a: {  	_ =	swait.ge [sflag:s18], $0x4000  }
0x8b: {  	[sflag:s18] =	ssyncset.done $0x0  }
0x8c: {  	[sflag:s18] =	ssyncadd.s32 $0xFFFFC000  }
.LBB2_7:
0x8d: {  	_ =	swait.ge [sflag:s19], $0x2000  }
0x8e: {  	[sflag:s19] =	ssyncset.done $0x0  }
0x8f: {  	[sflag:s19] =	ssyncadd.s32 $0xFFFFE000  }
.LBB2_8:
0x90: {  	s26 =	simm.s32 $0x0  }
0x91: {  	v16 =	vadd.s32 s26, v0  }
0x92: {  	v17 =	vand.u32 $0x3F, v16  }
0x93: {  	v18 =	vor.u32 v1, v17;
	_ =	sdelay $0x2  }
0x94: {  	v16 =	vshll.u32 v16, $0x7  }
0x95: {  	v16 =	vand.u32 $0x1F80, v16  }
0x96: {  	v19 =	vor.u32 v0, v16;
	v18 =	vld.idx.msk [tilespmem:v18+s13+$0x0], $0xffff  }
0x97: {  	v20 =	vor.u32 v2, v17;
	_ =	sdelay $0x3  }
0x98: {  	[tilespmem:v19+s20+$0x0] =	vst.idx.msk $0xffff, v18  }
0x99: {  	v19 =	vor.u32 v3, v16;
	v18 =	vld.idx.msk [tilespmem:v20+s13+$0x0], $0xffff  }
0x9a: {  	v20 =	vor.u32 v4, v17;
	_ =	sdelay $0x3  }
0x9b: {  	[tilespmem:v19+s20+$0x0] =	vst.idx.msk $0xffff, v18  }
0x9c: {  	v19 =	vor.u32 v5, v16;
	v18 =	vld.idx.msk [tilespmem:v20+s13+$0x0], $0xffff  }
0x9d: {  	v20 =	vor.u32 v6, v17;
	_ =	sdelay $0x3  }
0x9e: {  	[tilespmem:v19+s20+$0x0] =	vst.idx.msk $0xffff, v18  }
0x9f: {  	v19 =	vor.u32 v7, v16;
	v18 =	vld.idx.msk [tilespmem:v20+s13+$0x0], $0xffff  }
0xa0: {  	v20 =	vor.u32 v8, v17;
	_ =	sdelay $0x3  }
0xa1: {  	[tilespmem:v19+s20+$0x0] =	vst.idx.msk $0xffff, v18  }
0xa2: {  	v19 =	vor.u32 v9, v16;
	v18 =	vld.idx.msk [tilespmem:v20+s13+$0x0], $0xffff  }
0xa3: {  	v20 =	vor.u32 v10, v17;
	_ =	sdelay $0x3  }
0xa4: {  	[tilespmem:v19+s20+$0x0] =	vst.idx.msk $0xffff, v18  }
0xa5: {  	v19 =	vor.u32 v11, v16;
	v18 =	vld.idx.msk [tilespmem:v20+s13+$0x0], $0xffff  }
0xa6: {  	v20 =	vor.u32 v12, v17;
	_ =	sdelay $0x3  }
0xa7: {  	[tilespmem:v19+s20+$0x0] =	vst.idx.msk $0xffff, v18  }
0xa8: {  	v19 =	vor.u32 v13, v16;
	v18 =	vld.idx.msk [tilespmem:v20+s13+$0x0], $0xffff  }
0xa9: {  	v20 =	vor.u32 v14, v17;
	_ =	sdelay $0x3  }
0xaa: {  	s31 =	simm.s32 $0x1;
	[tilespmem:v19+s20+$0x0] =	vst.idx.msk $0xffff, v18  }
0xab: {  	s26 =	simm.s32 $0x2;
	v17 =	vadd.s32 s31, v0;
	v18 =	vld.idx.msk [tilespmem:v20+s13+$0x0], $0xffff  }
.LBB2_9:
0xac: {  	p0 =	sne.s32 s26, $0x3F;
	v19 =	vand.u32 $0x3F, v17;
	v16 =	vor.u32 v15, v16  }
0xad: {  	v20 =	vor.u32 v1, v19;
	_ =	sdelay $0x3  }
0xae: {  	v17 =	vshll.u32 v17, $0x7;
	[tilespmem:v16+s20+$0x0] =	vst.idx.msk $0xffff, v18  }
0xaf: {  	v16 =	vand.u32 $0x1F80, v17;
	v18 =	vld.idx.msk [tilespmem:v20+s13+$0x0], $0xffff  }
0xb0: {  	v17 =	vor.u32 v0, v16  }
0xb1: {  	v20 =	vor.u32 v2, v19;
	_ =	sdelay $0x3  }
0xb2: {  	[tilespmem:v17+s20+$0x0] =	vst.idx.msk $0xffff, v18  }
0xb3: {  	v17 =	vld.idx.msk [tilespmem:v20+s13+$0x0], $0xffff  }
0xb4: {  	v18 =	vor.u32 v3, v16  }
0xb5: {  	v20 =	vor.u32 v4, v19;
	_ =	sdelay $0x3  }
0xb6: {  	[tilespmem:v18+s20+$0x0] =	vst.idx.msk $0xffff, v17  }
0xb7: {  	v17 =	vld.idx.msk [tilespmem:v20+s13+$0x0], $0xffff  }
0xb8: {  	v18 =	vor.u32 v5, v16  }
0xb9: {  	v20 =	vor.u32 v6, v19;
	_ =	sdelay $0x3  }
0xba: {  	[tilespmem:v18+s20+$0x0] =	vst.idx.msk $0xffff, v17  }
0xbb: {  	v17 =	vld.idx.msk [tilespmem:v20+s13+$0x0], $0xffff  }
0xbc: {  	v18 =	vor.u32 v7, v16  }
0xbd: {  	v20 =	vor.u32 v8, v19;
	_ =	sdelay $0x3  }
0xbe: {  	[tilespmem:v18+s20+$0x0] =	vst.idx.msk $0xffff, v17  }
0xbf: {  	v17 =	vld.idx.msk [tilespmem:v20+s13+$0x0], $0xffff  }
0xc0: {  	v18 =	vor.u32 v9, v16  }
0xc1: {  	v20 =	vor.u32 v10, v19;
	_ =	sdelay $0x3  }
0xc2: {  	[tilespmem:v18+s20+$0x0] =	vst.idx.msk $0xffff, v17  }
0xc3: {  	v17 =	vld.idx.msk [tilespmem:v20+s13+$0x0], $0xffff  }
0xc4: {  	v18 =	vor.u32 v11, v16  }
0xc5: {  	v20 =	vor.u32 v12, v19;
	_ =	sdelay $0x3  }
0xc6: {  	[tilespmem:v18+s20+$0x0] =	vst.idx.msk $0xffff, v17  }
0xc7: {  	v17 =	vld.idx.msk [tilespmem:v20+s13+$0x0], $0xffff  }
0xc8: {  	v18 =	vor.u32 v13, v16  }
0xc9: {  	v19 =	vor.u32 v14, v19  }
.Ltmp4:
0xca: {  	(pc) =	sbr.rel @p0 .LBB2_9-.Ltmp4, $3  }
0xcb: {  	_ =	sdelay $0x1  }
0xcc: {  	[tilespmem:v18+s20+$0x0] =	vst.idx.msk $0xffff, v17  }
0xcd: {  	v17 =	vadd.s32 s26, v0;
	s26 =	sadd.s32 $0x1, s26;
	v18 =	vld.idx.msk [tilespmem:v19+s13+$0x0], $0xffff  }
0xce: {  	v19 =	vand.u32 $0x3F, v17;
	v16 =	vor.u32 v15, v16  }
0xcf: {  	v20 =	vor.u32 v1, v19;
	_ =	sdelay $0x2  }
0xd0: {  	v17 =	vshll.u32 v17, $0x7  }
0xd1: {  	[tilespmem:v16+s20+$0x0] =	vst.idx.msk $0xffff, v18;
	v16 =	vand.u32 $0x1F80, v17  }
0xd2: {  	v17 =	vld.idx.msk [tilespmem:v20+s13+$0x0], $0xffff;
	v51 =	vor.u32 v0, v16  }
0xd3: {  	v52 =	vor.u32 v2, v19;
	_ =	sdelay $0x3  }
0xd4: {  	[tilespmem:v51+s20+$0x0] =	vst.idx.msk $0xffff, v17  }
0xd5: {  	v53 =	vor.u32 v3, v16;
	v17 =	vld.idx.msk [tilespmem:v52+s13+$0x0], $0xffff  }
0xd6: {  	v54 =	vor.u32 v4, v19;
	_ =	sdelay $0x3  }
0xd7: {  	[tilespmem:v53+s20+$0x0] =	vst.idx.msk $0xffff, v17  }
0xd8: {  	v55 =	vor.u32 v5, v16;
	v17 =	vld.idx.msk [tilespmem:v54+s13+$0x0], $0xffff  }
0xd9: {  	v56 =	vor.u32 v6, v19;
	_ =	sdelay $0x3  }
0xda: {  	[tilespmem:v55+s20+$0x0] =	vst.idx.msk $0xffff, v17  }
0xdb: {  	v57 =	vor.u32 v7, v16;
	v17 =	vld.idx.msk [tilespmem:v56+s13+$0x0], $0xffff  }
0xdc: {  	v58 =	vor.u32 v8, v19;
	_ =	sdelay $0x3  }
0xdd: {  	[tilespmem:v57+s20+$0x0] =	vst.idx.msk $0xffff, v17  }
0xde: {  	v59 =	vor.u32 v9, v16;
	v17 =	vld.idx.msk [tilespmem:v58+s13+$0x0], $0xffff  }
0xdf: {  	v60 =	vor.u32 v10, v19;
	_ =	sdelay $0x3  }
0xe0: {  	[tilespmem:v59+s20+$0x0] =	vst.idx.msk $0xffff, v17  }
0xe1: {  	v61 =	vor.u32 v11, v16;
	v17 =	vld.idx.msk [tilespmem:v60+s13+$0x0], $0xffff  }
0xe2: {  	v62 =	vor.u32 v12, v19;
	_ =	sdelay $0x3  }
0xe3: {  	[tilespmem:v61+s20+$0x0] =	vst.idx.msk $0xffff, v17  }
0xe4: {  	v63 =	vor.u32 v13, v16;
	v17 =	vld.idx.msk [tilespmem:v62+s13+$0x0], $0xffff  }
0xe5: {  	v19 =	vor.u32 v14, v19;
	_ =	sdelay $0x3  }
0xe6: {  	[tilespmem:v63+s20+$0x0] =	vst.idx.msk $0xffff, v17  }
0xe7: {  	s23 =	sadd.s32 $0x1, s23;
	v16 =	vor.u32 v15, v16;
	v17 =	vld.idx.msk [tilespmem:v19+s13+$0x0], $0xffff  }
0xe8: {  	p0 =	sne.s32 s23, $0x28  }
.Ltmp5:
0xe9: {  	_ = 	snop;
	(pc) =	sbr.rel @p0 .LBB2_2-.Ltmp5, $4  }
0xea: {  	_ = 	snop  }
0xeb: {  	s24 =	sshll.u32 s24, $0x11;
	s25 =	sadd.s32 s2, s25  }
0xec: {  	s24 =	sadd.s32 s24, s25;
	[tilespmem:v16+s20+$0x0] =	vst.idx.msk $0xffff, v17  }
0xed: {  	[hbm4b:s24+s16] =	stream.strided.scatter [tilespmem:s20], [sflag:$0x4], $0x2000, s17, s16, $0x38;
	[tilespmem:$0xE800] =	vst v63  }
0xee: {  	s22 =	sadd.s32 $0x1, s22  }
0xef: {  	_ =	swait.ge [sflag:s21], $0x2000;
	p0 =	sne.s32 s22, s7  }
.Ltmp6:
0xf0: {  	[sflag:s21] =	ssyncset.done $0x0;
	(pc) =	sbr.rel @p0 .LBB2_1-.Ltmp6, $4  }
0xf1: {  	[sflag:s21] =	ssyncadd.s32 $0xFFFFE000  }
0xf2: {  	_ =	swait.ge [sflag:s19], $0x2000  }
0xf3: {  	[sflag:s19] =	ssyncset.done $0x0  }
0xf4: {  	[sflag:s19] =	ssyncadd.s32 $0xFFFFE000  }
0xf5: {  	_ =	sfence.sel $0x180000  }
0xf6: {  	[bflag:$0x0] =	sbarrier.arrive $0xFFFF  }
0xf7: {  	p0 =	sne.s32 s1, $0x0;
	_ =	strace $0x90000047  }
0xf8: {  	s0 =	sadd.s32 @!p0 $0x100000, s0;
	[bflag:$0x2] =	sbarrier.arrive $0xFFFF  }
0xf9: {  	[sflag:s0] =	ssyncadd.tile.s32 @!p0 $0x1;
	_ =	shalt  }
.Lfunc_end2:
_tile_overlayer_lowered:
.L_overlay_start_2:
0xfa: {  	(tag) =	ssettag $0x2  }
0xfb: {  	s0 =	rddreg [dreg:$0x0];
	s2 =	stileid.u32  }
0xfc: {  	s1 =	rddreg [dreg:$0x1];
	p0 =	sne.s32 s2, $0x0  }
0xfd: {  	s3 =	rddreg [dreg:$0x2];
	[bflag:$0x3] =	sbarrier.arrive $0xFFFF;
	s2 =	simm.s32 @!p0 $0x1C05  }
0xfe: {  	[timem:s3], [sflag:s2] =	dma.local @!p0 [hbm:s0], s1  }
0xff: {  	s0 =	simm.s32 @!p0 $0x5  }
0x100: {  	_ =	swait.ge @!p0 [sflag:s0], s1  }
0x101: {  	s1 =	ssub.s32 @!p0 $0x0, s1;
	[sflag:s0] =	ssyncset.done @!p0 $0x0  }
0x102: {  	[sflag:s0] =	ssyncadd.s32 @!p0 s1  }
0x103: {  	[bflag:$0x3] =	sbarrier.arrive $0xFFFF  }
0x104: {  	_ =	shalt  }

</sc_bundles>
